<compile_context>
chip_gen: v7x
topology: tpu7x:2x2x1
jax: 0.10.2.dev20260603
libtpu: 0.0.44.dev20260713+nightly
codegen_flags: <defaults>
</compile_context>

<pallas_src>
import jax
import jax.numpy as jnp
import numpy as np
from jax import lax
from jax.experimental import pallas as pl
from jax.experimental.pallas import tpu as pltpu
from jax.experimental.pallas import tpu_sc as plsc

VOCAB = 1000000
EMBED = 128
NDENSE = 13
NSPARSE = 26
NFEAT = NSPARSE + 1
GPAD = 32
GRP = 8
BB = 256
NW = 32
CHUNK = 128
NBUF = 2


def _sc_gather(table, idx3):
    nw, nchunks, c = idx3.shape
    n = nw * nchunks * c
    rows_per_w = nchunks * c
    ngrp = nchunks // NBUF
    mesh = plsc.VectorSubcoreMesh(core_axis_name="core",
                                  subcore_axis_name="subcore")

    @pl.kernel(out_type=jax.ShapeDtypeStruct((n, EMBED), table.dtype),
               mesh=mesh,
               scratch_types=[
                   pltpu.VMEM((nchunks, c), jnp.int32),
                   pltpu.VMEM((2, NBUF, c, EMBED), jnp.float32),
                   pltpu.SemaphoreType.DMA((2, NBUF)),
                   pltpu.SemaphoreType.DMA((2, NBUF)),
               ])
    def run(tab_hbm, idx_hbm, out_hbm, idx_v, rows_v, gsem, wsem):
        wid = lax.axis_index("subcore") * 2 + lax.axis_index("core")
        base = wid * rows_per_w
        pltpu.sync_copy(idx_hbm.at[wid], idx_v)

        def by_parity(g, fn):
            @pl.when(lax.rem(g, 2) == 0)
            def _():
                fn(g, 0)

            @pl.when(lax.rem(g, 2) == 1)
            def _():
                fn(g, 1)

        def fire_gathers(g, p):
            for b in range(NBUF):
                ch = g * NBUF + b
                pltpu.async_copy(tab_hbm.at[idx_v.at[ch]],
                                 rows_v.at[p].at[b], gsem.at[p, b])

        def drain_gathers_fire_wb(g, p):
            for b in range(NBUF):
                ch = g * NBUF + b
                pltpu.make_async_copy(tab_hbm.at[idx_v.at[ch]],
                                      rows_v.at[p].at[b], gsem.at[p, b]).wait()
            for b in range(NBUF):
                ch = g * NBUF + b
                pltpu.async_copy(rows_v.at[p].at[b],
                                 out_hbm.at[pl.ds(base + ch * c, c)],
                                 wsem.at[p, b])

        def drain_wb(g, p):
            for b in range(NBUF):
                ch = g * NBUF + b
                pltpu.make_async_copy(rows_v.at[p].at[b],
                                      out_hbm.at[pl.ds(base + ch * c, c)],
                                      wsem.at[p, b]).wait()

        def body(g, carry):
            @pl.when(g >= 2)
            def _():
                by_parity(g - 2, drain_wb)

            @pl.when(g < ngrp)
            def _():
                by_parity(g, fire_gathers)

            @pl.when(jnp.logical_and(g >= 1, g <= ngrp))
            def _():
                by_parity(g - 1, drain_gathers_fire_wb)

            return carry

        lax.fori_loop(0, ngrp + 2, body, 0)

    return run(table, idx3)


def _tc_body(x_ref, s_ref, bw0, bb0, bw1, bb1, bw2, bb2,
             a0, wf, mask, sfold, tb0, tw1, tb1, tw2, tb2, tw3, tb3,
             tw4, tb4, o_ref):
    f32 = jnp.float32

    h = x_ref[:, :NDENSE]
    h = jax.nn.relu(jnp.dot(h, bw0[...], preferred_element_type=f32) + bb0[...])
    h = jax.nn.relu(jnp.dot(h, bw1[...], preferred_element_type=f32) + bb1[...])
    bot = jax.nn.relu(jnp.dot(h, bw2[...], preferred_element_type=f32) + bb2[...])

    s26 = s_ref[...].reshape(BB, NSPARSE, EMBED)
    s3 = jnp.concatenate(
        [bot[:, None, :], s26,
         jnp.zeros((BB, GPAD - 1 - NSPARSE, EMBED), f32)], axis=1)
    sg = s3.reshape(BB // GRP, GRP * GPAD, EMBED)
    xg = lax.dot_general(sg, sg, (((2,), (2,)), ((0,), (0,))),
                         preferred_element_type=f32)
    xm = (xg * mask[...]).reshape(BB * GPAD, GRP * GPAD)
    ym = jnp.dot(xm, sfold[...], preferred_element_type=f32)
    ym3 = ym.reshape(BB, GPAD, GPAD)
    yft = jnp.transpose(ym3, (1, 2, 0)).reshape(GPAD * GPAD, BB)

    bott = jnp.transpose(bot)
    h = jnp.dot(a0[...], bott, preferred_element_type=f32)
    h = h + jnp.dot(wf[...], yft, preferred_element_type=f32)
    h = jax.nn.relu(h + tb0[...])
    h = jax.nn.relu(jnp.dot(tw1[...], h, preferred_element_type=f32) + tb1[...])
    h = jax.nn.relu(jnp.dot(tw2[...], h, preferred_element_type=f32) + tb2[...])
    h = jax.nn.relu(jnp.dot(tw3[...], h, preferred_element_type=f32) + tb3[...])
    h = jnp.dot(tw4[...], h, preferred_element_type=f32) + tb4[...]
    o_ref[...] = jnp.transpose(h)


def _full(arr):
    return pl.BlockSpec(arr.shape, lambda i: (0,) * arr.ndim)


def kernel(x, table, bw0, bb0, bw1, bb1, bw2, bb2,
           tw0, tb0, tw1, tb1, tw2, tb2, tw3, tb3, tw4, tb4):
    batch = x.shape[0]
    cidx = x[:, NDENSE:].astype(jnp.int32) % VOCAB
    idx3 = cidx.reshape(NW, (batch * NSPARSE) // (NW * CHUNK), CHUNK)
    s_flat = _sc_gather(table, idx3)

    iu, ju = np.triu_indices(NFEAT)
    half = 0.5 * tw0[EMBED:]
    wf = jnp.zeros((GPAD * GPAD, tw0.shape[1]), tw0.dtype)
    wf = wf.at[iu * GPAD + ju].add(half).at[ju * GPAD + iu].add(half)
    wf = wf.T
    a0 = tw0[:EMBED].T

    r = np.arange(GRP * GPAD)
    mask = jnp.asarray((r[:, None] // GPAD == r[None, :] // GPAD),
                       dtype=x.dtype)
    sfold = jnp.asarray(np.equal(r[:, None] % GPAD, np.arange(GPAD)[None, :]),
                        dtype=x.dtype)

    weights = (bw0, bb0.reshape(1, -1), bw1, bb1.reshape(1, -1),
               bw2, bb2.reshape(1, -1), a0, wf, mask, sfold,
               tb0.reshape(-1, 1), tw1.T, tb1.reshape(-1, 1),
               tw2.T, tb2.reshape(-1, 1), tw3.T, tb3.reshape(-1, 1),
               tw4.T, tb4.reshape(-1, 1))

    out = pl.pallas_call(
        _tc_body,
        grid=(batch // BB,),
        in_specs=[
            pl.BlockSpec((BB, x.shape[1]), lambda i: (i, 0)),
            pl.BlockSpec((BB * NSPARSE, EMBED), lambda i: (i, 0)),
        ] + [_full(w) for w in weights],
        out_specs=pl.BlockSpec((BB, 1), lambda i: (i, 0)),
        out_shape=jax.ShapeDtypeStruct((batch, 1), jnp.float32),
    )(x, s_flat, *weights)
    return out

# --- scband reference (transcript-rebuilt; emitter-appended) ---
"""Pipeline reference for scband-dlrm-small-7421703487501 (READ-ONLY COPY).

The authoritative reference and input builder live on the scoring server;
editing this copy changes nothing except your own understanding.
"""

import jax, jax.numpy as jnp
import numpy as np

VOCAB = 1000000
EMBED = 128
NDENSE = 13
NSPARSE = 26
B = 16384
BOT_DIMS = (512, 256, 128)
TOP_DIMS = (1024, 1024, 512, 256, 1)
TOP_IN = 506


def setup_inputs(seed: int = 0):
    key = jax.random.key(seed)
    ks = jax.random.split(key, 32)
    dense = jax.random.normal(ks[0], (B, NDENSE), jnp.float32)
    cat = jax.random.randint(ks[1], (B, NSPARSE), 0, VOCAB).astype(jnp.float32)
    x = jnp.concatenate([dense, cat], axis=1)
    table = jax.random.uniform(ks[2], (VOCAB, EMBED), jnp.float32) * (1.0 / np.sqrt(VOCAB))
    inp = {"x": x, "table": table}
    fan_in = NDENSE
    for i, fo in enumerate(BOT_DIMS):
        lim = float(np.sqrt(6.0 / (fan_in + fo)))
        inp["bw%d" % i] = jax.random.uniform(ks[3 + 2 * i], (fan_in, fo), jnp.float32, -lim, lim)
        inp["bb%d" % i] = jax.random.normal(ks[4 + 2 * i], (fo,), jnp.float32) * float(np.sqrt(1.0 / fo))
        fan_in = fo
    fan_in = TOP_IN
    for i, fo in enumerate(TOP_DIMS):
        inp["tw%d" % i] = jax.random.normal(ks[10 + 2 * i], (fan_in, fo), jnp.float32) * float(np.sqrt(2.0 / (fan_in + fo)))
        inp["tb%d" % i] = jax.random.normal(ks[11 + 2 * i], (fo,), jnp.float32) * float(np.sqrt(1.0 / fo))
        fan_in = fo
    return inp


def reference(x, table, bw0, bb0, bw1, bb1, bw2, bb2, tw0, tb0, tw1, tb1, tw2, tb2, tw3, tb3, tw4, tb4):
    batch = x.shape[0]
    dense = x[:, :NDENSE]
    cat = x[:, NDENSE:].astype(jnp.int32)
    h = dense
    for W, b in ((bw0, bb0), (bw1, bb1), (bw2, bb2)):
        h = jax.nn.relu(h @ W + b)
    bot = h
    idx = jnp.reshape(cat, (-1,)) % VOCAB
    emb = jnp.take(table, idx, axis=0)
    emb = jnp.reshape(emb, (batch, NSPARSE, EMBED))
    stack = jnp.concatenate([jnp.reshape(bot, (batch, 1, EMBED)), emb], axis=1)
    xact = jnp.einsum('bnd,bmd->bnm', stack, stack)
    n_feat = stack.shape[1]
    iu, ju = np.triu_indices(n_feat)
    act = xact[:, iu, ju]
    h = jnp.concatenate([bot, act], axis=1)
    tws = (tw0, tw1, tw2, tw3, tw4)
    tbs = (tb0, tb1, tb2, tb3, tb4)
    for i in range(len(tws)):
        h = h @ tws[i] + tbs[i]
        if i < len(tws) - 1:
            h = jax.nn.relu(h)
    return h

if __name__ == "__main__":
    import jax
    _d = setup_inputs()
    print(jax.jit(kernel)(*tuple(_d.values())))

</pallas_src>

<mosaic_0001>
#map = affine_map<(d0, d1) -> (0, 0)>
#map1 = affine_map<(d0, d1) -> (0, 0, 0)>
module attributes {stable_mosaic.version = 14 : i64} {
  func.func @run(%arg0: i32, %arg1: i32, %arg2: memref<1000000x128xf32, #tpu.memory_space<hbm>>, %arg3: memref<32x104x128xi32, #tpu.memory_space<hbm>>, %arg4: memref<425984x128xf32, #tpu.memory_space<hbm>>, %arg5: memref<104x128xi32, #tpu.memory_space<vmem>>, %arg6: memref<2x2x128x128xf32, #tpu.memory_space<vmem>>, %arg7: memref<2x2x!tpu.dma_semaphore, #tpu.memory_space<semaphore_mem>>, %arg8: memref<2x2x!tpu.dma_semaphore, #tpu.memory_space<semaphore_mem>>) attributes {dimension_semantics = [#tpu.dimension_semantics<core_parallel>, #tpu.dimension_semantics<subcore_parallel>], iteration_bounds = array<i64: 2, 16>, scalar_prefetch = 0 : i64, scratch_operands = 4 : i64, tpu.core_type = #tpu.core_type<sc_vector_subcore>, window_params = [{transform_indices = #map}, {transform_indices = #map1}, {transform_indices = #map}]} {
    %mul3A = arith.constant 2 : i32
    %mul3A_0 = arith.muli %arg1, %mul3A : i32
    %add3A = arith.addi %mul3A_0, %arg0 : i32
    %mul3A_1 = arith.constant 13312 : i32
    %mul3A_2 = arith.muli %add3A, %mul3A_1 : i32
    "tpu.region"() ({
      %run_scoped3A = tpu.sem_alloc : memref<!tpu.dma_semaphore, #tpu.memory_space<semaphore_mem>>
      %dma_start3A = arith.constant 0 : i32
      %dma_start3A_8 = arith.constant 0 : i32
      %dma_start3A_9 = tpu.memref_slice %arg3[%add3A, %dma_start3A, %dma_start3A_8] : memref<32x104x128xi32, #tpu.memory_space<hbm>> -> memref<1x104x128xi32, #tpu.memory_space<hbm>>
      %dma_start3A_10 = tpu.memref_squeeze %dma_start3A_9 : memref<1x104x128xi32, #tpu.memory_space<hbm>> -> memref<104x128xi32, #tpu.memory_space<hbm>>
      %dma_start3A_11 = arith.constant 0 : i32
      %dma_start3A_12 = arith.constant 0 : i32
      %dma_start3A_13 = tpu.memref_slice %arg3[%add3A, %dma_start3A_11, %dma_start3A_12] : memref<32x104x128xi32, #tpu.memory_space<hbm>> -> memref<1x104x128xi32, #tpu.memory_space<hbm>>
      %dma_start3A_14 = tpu.memref_squeeze %dma_start3A_13 : memref<1x104x128xi32, #tpu.memory_space<hbm>> -> memref<104x128xi32, #tpu.memory_space<hbm>>
      tpu.enqueue_dma source(%dma_start3A_14 : memref<104x128xi32, #tpu.memory_space<hbm>>) target(%arg5 : memref<104x128xi32, #tpu.memory_space<vmem>>) target_semaphore(%run_scoped3A : memref<!tpu.dma_semaphore, #tpu.memory_space<semaphore_mem>>)
      %dma_wait3A = arith.constant 0 : i32
      %dma_wait3A_15 = arith.constant 0 : i32
      %dma_wait3A_16 = tpu.memref_slice %arg3[%add3A, %dma_wait3A, %dma_wait3A_15] : memref<32x104x128xi32, #tpu.memory_space<hbm>> -> memref<1x104x128xi32, #tpu.memory_space<hbm>>
      %dma_wait3A_17 = tpu.memref_squeeze %dma_wait3A_16 : memref<1x104x128xi32, #tpu.memory_space<hbm>> -> memref<104x128xi32, #tpu.memory_space<hbm>>
      %dma_wait3A_18 = arith.constant 0 : i32
      %dma_wait3A_19 = arith.constant 0 : i32
      %dma_wait3A_20 = tpu.memref_slice %arg3[%add3A, %dma_wait3A_18, %dma_wait3A_19] : memref<32x104x128xi32, #tpu.memory_space<hbm>> -> memref<1x104x128xi32, #tpu.memory_space<hbm>>
      %dma_wait3A_21 = tpu.memref_squeeze %dma_wait3A_20 : memref<1x104x128xi32, #tpu.memory_space<hbm>> -> memref<104x128xi32, #tpu.memory_space<hbm>>
      tpu.wait_dma2 semaphore(%run_scoped3A : memref<!tpu.dma_semaphore, #tpu.memory_space<semaphore_mem>>) src(%dma_wait3A_21 : memref<104x128xi32, #tpu.memory_space<hbm>>) dst(%arg5 : memref<104x128xi32, #tpu.memory_space<vmem>>)
      tpu.yield
    }) : () -> ()
    %scan3A = arith.constant 0 : i32
    %scan3A_3 = arith.constant 0 : i32
    %scan3A_4 = arith.constant 54 : i32
    %scan3A_5 = arith.addi %scan3A_3, %scan3A_4 : i32
    %scan3A_6 = arith.constant 1 : i32
    scf.for %scan3A_8 = %scan3A_3 to %scan3A_5 step %scan3A_6  : i32 {
      %ge3A = arith.constant 2 : i32
      %ge3A_9 = arith.cmpi sge, %scan3A_8, %ge3A : i32
      %convert_element_type3A = arith.extui %ge3A_9 : i1 to i32
      %cond3A = arith.constant 0 : i32
      %cond3A_10 = arith.cmpi ne, %convert_element_type3A, %cond3A : i32
      scf.if %cond3A_10 {
        %sub3A = arith.constant 2 : i32
        %sub3A_21 = arith.subi %scan3A_8, %sub3A : i32
        %rem3A = arith.constant 2 : i32
        %rem3A_22 = arith.remsi %sub3A_21, %rem3A : i32
        %eq3A = arith.constant 0 : i32
        %eq3A_23 = arith.cmpi eq, %rem3A_22, %eq3A : i32
        %convert_element_type3A_24 = arith.extui %eq3A_23 : i1 to i32
        %cond3A_25 = arith.constant 0 : i32
        %cond3A_26 = arith.cmpi ne, %convert_element_type3A_24, %cond3A_25 : i32
        scf.if %cond3A_26 {
          %mul3A_34 = arith.constant 2 : i32
          %mul3A_35 = arith.muli %sub3A_21, %mul3A_34 : i32
          %add3A_36 = arith.constant 0 : i32
          %add3A_37 = arith.addi %mul3A_35, %add3A_36 : i32
          %mul3A_38 = arith.constant 128 : i32
          %mul3A_39 = arith.muli %add3A_37, %mul3A_38 : i32
          %add3A_40 = arith.addi %mul3A_2, %mul3A_39 : i32
          %dma_wait3A = arith.constant 0 : i32
          %dma_wait3A_41 = arith.constant 0 : i32
          %dma_wait3A_42 = arith.constant 0 : i32
          %dma_wait3A_43 = arith.constant 0 : i32
          %dma_wait3A_44 = arith.constant 0 : i32
          %dma_wait3A_45 = arith.constant 0 : i32
          %dma_wait3A_46 = arith.constant 0 : i32
          %dma_wait3A_47 = tpu.memref_slice %arg6[%dma_wait3A, %dma_wait3A_44, %dma_wait3A_45, %dma_wait3A_46] : memref<2x2x128x128xf32, #tpu.memory_space<vmem>> -> memref<1x2x128x128xf32, #tpu.memory_space<vmem>>
          %dma_wait3A_48 = tpu.memref_squeeze %dma_wait3A_47 : memref<1x2x128x128xf32, #tpu.memory_space<vmem>> -> memref<2x128x128xf32, #tpu.memory_space<vmem>>
          %dma_wait3A_49 = arith.constant 0 : i32
          %dma_wait3A_50 = arith.constant 0 : i32
          %dma_wait3A_51 = tpu.memref_slice %dma_wait3A_48[%dma_wait3A_41, %dma_wait3A_49, %dma_wait3A_50] : memref<2x128x128xf32, #tpu.memory_space<vmem>> -> memref<1x128x128xf32, #tpu.memory_space<vmem>>
          %dma_wait3A_52 = tpu.memref_squeeze %dma_wait3A_51 : memref<1x128x128xf32, #tpu.memory_space<vmem>> -> memref<128x128xf32, #tpu.memory_space<vmem>>
          %dma_wait3A_53 = arith.constant 0 : i32
          %dma_wait3A_54 = tpu.memref_slice %arg4[%add3A_40, %dma_wait3A_53] : memref<425984x128xf32, #tpu.memory_space<hbm>> -> memref<128x128xf32, #tpu.memory_space<hbm>>
          %dma_wait3A_55 = tpu.memref_slice %arg8[%dma_wait3A_42, %dma_wait3A_43] : memref<2x2x!tpu.dma_semaphore, #tpu.memory_space<semaphore_mem>> -> memref<1x1x!tpu.dma_semaphore, #tpu.memory_space<semaphore_mem>>
          %dma_wait3A_56 = tpu.memref_squeeze %dma_wait3A_55 : memref<1x1x!tpu.dma_semaphore, #tpu.memory_space<semaphore_mem>> -> memref<!tpu.dma_semaphore, #tpu.memory_space<semaphore_mem>>
          %dma_wait3A_57 = arith.constant 0 : i32
          %dma_wait3A_58 = tpu.memref_slice %arg4[%add3A_40, %dma_wait3A_57] : memref<425984x128xf32, #tpu.memory_space<hbm>> -> memref<128x128xf32, #tpu.memory_space<hbm>>
          %dma_wait3A_59 = arith.constant 0 : i32
          %dma_wait3A_60 = arith.constant 0 : i32
          %dma_wait3A_61 = arith.constant 0 : i32
          %dma_wait3A_62 = tpu.memref_slice %arg6[%dma_wait3A, %dma_wait3A_59, %dma_wait3A_60, %dma_wait3A_61] : memref<2x2x128x128xf32, #tpu.memory_space<vmem>> -> memref<1x2x128x128xf32, #tpu.memory_space<vmem>>
          %dma_wait3A_63 = tpu.memref_squeeze %dma_wait3A_62 : memref<1x2x128x128xf32, #tpu.memory_space<vmem>> -> memref<2x128x128xf32, #tpu.memory_space<vmem>>
          %dma_wait3A_64 = arith.constant 0 : i32
          %dma_wait3A_65 = arith.constant 0 : i32
          %dma_wait3A_66 = tpu.memref_slice %dma_wait3A_63[%dma_wait3A_41, %dma_wait3A_64, %dma_wait3A_65] : memref<2x128x128xf32, #tpu.memory_space<vmem>> -> memref<1x128x128xf32, #tpu.memory_space<vmem>>
          %dma_wait3A_67 = tpu.memref_squeeze %dma_wait3A_66 : memref<1x128x128xf32, #tpu.memory_space<vmem>> -> memref<128x128xf32, #tpu.memory_space<vmem>>
          tpu.wait_dma2 semaphore(%dma_wait3A_56 : memref<!tpu.dma_semaphore, #tpu.memory_space<semaphore_mem>>) src(%dma_wait3A_67 : memref<128x128xf32, #tpu.memory_space<vmem>>) dst(%dma_wait3A_58 : memref<128x128xf32, #tpu.memory_space<hbm>>)
          %mul3A_68 = arith.constant 2 : i32
          %mul3A_69 = arith.muli %sub3A_21, %mul3A_68 : i32
          %add3A_70 = arith.constant 1 : i32
          %add3A_71 = arith.addi %mul3A_69, %add3A_70 : i32
          %mul3A_72 = arith.constant 128 : i32
          %mul3A_73 = arith.muli %add3A_71, %mul3A_72 : i32
          %add3A_74 = arith.addi %mul3A_2, %mul3A_73 : i32
          %dma_wait3A_75 = arith.constant 0 : i32
          %dma_wait3A_76 = arith.constant 1 : i32
          %dma_wait3A_77 = arith.constant 0 : i32
          %dma_wait3A_78 = arith.constant 1 : i32
          %dma_wait3A_79 = arith.constant 0 : i32
          %dma_wait3A_80 = arith.constant 0 : i32
          %dma_wait3A_81 = arith.constant 0 : i32
          %dma_wait3A_82 = tpu.memref_slice %arg6[%dma_wait3A_75, %dma_wait3A_79, %dma_wait3A_80, %dma_wait3A_81] : memref<2x2x128x128xf32, #tpu.memory_space<vmem>> -> memref<1x2x128x128xf32, #tpu.memory_space<vmem>>
          %dma_wait3A_83 = tpu.memref_squeeze %dma_wait3A_82 : memref<1x2x128x128xf32, #tpu.memory_space<vmem>> -> memref<2x128x128xf32, #tpu.memory_space<vmem>>
          %dma_wait3A_84 = arith.constant 0 : i32
          %dma_wait3A_85 = arith.constant 0 : i32
          %dma_wait3A_86 = tpu.memref_slice %dma_wait3A_83[%dma_wait3A_76, %dma_wait3A_84, %dma_wait3A_85] : memref<2x128x128xf32, #tpu.memory_space<vmem>> -> memref<1x128x128xf32, #tpu.memory_space<vmem>>
          %dma_wait3A_87 = tpu.memref_squeeze %dma_wait3A_86 : memref<1x128x128xf32, #tpu.memory_space<vmem>> -> memref<128x128xf32, #tpu.memory_space<vmem>>
          %dma_wait3A_88 = arith.constant 0 : i32
          %dma_wait3A_89 = tpu.memref_slice %arg4[%add3A_74, %dma_wait3A_88] : memref<425984x128xf32, #tpu.memory_space<hbm>> -> memref<128x128xf32, #tpu.memory_space<hbm>>
          %dma_wait3A_90 = tpu.memref_slice %arg8[%dma_wait3A_77, %dma_wait3A_78] : memref<2x2x!tpu.dma_semaphore, #tpu.memory_space<semaphore_mem>> -> memref<1x1x!tpu.dma_semaphore, #tpu.memory_space<semaphore_mem>>
          %dma_wait3A_91 = tpu.memref_squeeze %dma_wait3A_90 : memref<1x1x!tpu.dma_semaphore, #tpu.memory_space<semaphore_mem>> -> memref<!tpu.dma_semaphore, #tpu.memory_space<semaphore_mem>>
          %dma_wait3A_92 = arith.constant 0 : i32
          %dma_wait3A_93 = tpu.memref_slice %arg4[%add3A_74, %dma_wait3A_92] : memref<425984x128xf32, #tpu.memory_space<hbm>> -> memref<128x128xf32, #tpu.memory_space<hbm>>
          %dma_wait3A_94 = arith.constant 0 : i32
          %dma_wait3A_95 = arith.constant 0 : i32
          %dma_wait3A_96 = arith.constant 0 : i32
          %dma_wait3A_97 = tpu.memref_slice %arg6[%dma_wait3A_75, %dma_wait3A_94, %dma_wait3A_95, %dma_wait3A_96] : memref<2x2x128x128xf32, #tpu.memory_space<vmem>> -> memref<1x2x128x128xf32, #tpu.memory_space<vmem>>
          %dma_wait3A_98 = tpu.memref_squeeze %dma_wait3A_97 : memref<1x2x128x128xf32, #tpu.memory_space<vmem>> -> memref<2x128x128xf32, #tpu.memory_space<vmem>>
          %dma_wait3A_99 = arith.constant 0 : i32
          %dma_wait3A_100 = arith.constant 0 : i32
          %dma_wait3A_101 = tpu.memref_slice %dma_wait3A_98[%dma_wait3A_76, %dma_wait3A_99, %dma_wait3A_100] : memref<2x128x128xf32, #tpu.memory_space<vmem>> -> memref<1x128x128xf32, #tpu.memory_space<vmem>>
          %dma_wait3A_102 = tpu.memref_squeeze %dma_wait3A_101 : memref<1x128x128xf32, #tpu.memory_space<vmem>> -> memref<128x128xf32, #tpu.memory_space<vmem>>
          tpu.wait_dma2 semaphore(%dma_wait3A_91 : memref<!tpu.dma_semaphore, #tpu.memory_space<semaphore_mem>>) src(%dma_wait3A_102 : memref<128x128xf32, #tpu.memory_space<vmem>>) dst(%dma_wait3A_93 : memref<128x128xf32, #tpu.memory_space<hbm>>)
        } else {
        }
        %rem3A_27 = arith.constant 2 : i32
        %rem3A_28 = arith.remsi %sub3A_21, %rem3A_27 : i32
        %eq3A_29 = arith.constant 1 : i32
        %eq3A_30 = arith.cmpi eq, %rem3A_28, %eq3A_29 : i32
        %convert_element_type3A_31 = arith.extui %eq3A_30 : i1 to i32
        %cond3A_32 = arith.constant 0 : i32
        %cond3A_33 = arith.cmpi ne, %convert_element_type3A_31, %cond3A_32 : i32
        scf.if %cond3A_33 {
          %mul3A_34 = arith.constant 2 : i32
          %mul3A_35 = arith.muli %sub3A_21, %mul3A_34 : i32
          %add3A_36 = arith.constant 0 : i32
          %add3A_37 = arith.addi %mul3A_35, %add3A_36 : i32
          %mul3A_38 = arith.constant 128 : i32
          %mul3A_39 = arith.muli %add3A_37, %mul3A_38 : i32
          %add3A_40 = arith.addi %mul3A_2, %mul3A_39 : i32
          %dma_wait3A = arith.constant 1 : i32
          %dma_wait3A_41 = arith.constant 0 : i32
          %dma_wait3A_42 = arith.constant 1 : i32
          %dma_wait3A_43 = arith.constant 0 : i32
          %dma_wait3A_44 = arith.constant 0 : i32
          %dma_wait3A_45 = arith.constant 0 : i32
          %dma_wait3A_46 = arith.constant 0 : i32
          %dma_wait3A_47 = tpu.memref_slice %arg6[%dma_wait3A, %dma_wait3A_44, %dma_wait3A_45, %dma_wait3A_46] : memref<2x2x128x128xf32, #tpu.memory_space<vmem>> -> memref<1x2x128x128xf32, #tpu.memory_space<vmem>>
          %dma_wait3A_48 = tpu.memref_squeeze %dma_wait3A_47 : memref<1x2x128x128xf32, #tpu.memory_space<vmem>> -> memref<2x128x128xf32, #tpu.memory_space<vmem>>
          %dma_wait3A_49 = arith.constant 0 : i32
          %dma_wait3A_50 = arith.constant 0 : i32
          %dma_wait3A_51 = tpu.memref_slice %dma_wait3A_48[%dma_wait3A_41, %dma_wait3A_49, %dma_wait3A_50] : memref<2x128x128xf32, #tpu.memory_space<vmem>> -> memref<1x128x128xf32, #tpu.memory_space<vmem>>
          %dma_wait3A_52 = tpu.memref_squeeze %dma_wait3A_51 : memref<1x128x128xf32, #tpu.memory_space<vmem>> -> memref<128x128xf32, #tpu.memory_space<vmem>>
          %dma_wait3A_53 = arith.constant 0 : i32
          %dma_wait3A_54 = tpu.memref_slice %arg4[%add3A_40, %dma_wait3A_53] : memref<425984x128xf32, #tpu.memory_space<hbm>> -> memref<128x128xf32, #tpu.memory_space<hbm>>
          %dma_wait3A_55 = tpu.memref_slice %arg8[%dma_wait3A_42, %dma_wait3A_43] : memref<2x2x!tpu.dma_semaphore, #tpu.memory_space<semaphore_mem>> -> memref<1x1x!tpu.dma_semaphore, #tpu.memory_space<semaphore_mem>>
          %dma_wait3A_56 = tpu.memref_squeeze %dma_wait3A_55 : memref<1x1x!tpu.dma_semaphore, #tpu.memory_space<semaphore_mem>> -> memref<!tpu.dma_semaphore, #tpu.memory_space<semaphore_mem>>
          %dma_wait3A_57 = arith.constant 0 : i32
          %dma_wait3A_58 = tpu.memref_slice %arg4[%add3A_40, %dma_wait3A_57] : memref<425984x128xf32, #tpu.memory_space<hbm>> -> memref<128x128xf32, #tpu.memory_space<hbm>>
          %dma_wait3A_59 = arith.constant 0 : i32
          %dma_wait3A_60 = arith.constant 0 : i32
          %dma_wait3A_61 = arith.constant 0 : i32
          %dma_wait3A_62 = tpu.memref_slice %arg6[%dma_wait3A, %dma_wait3A_59, %dma_wait3A_60, %dma_wait3A_61] : memref<2x2x128x128xf32, #tpu.memory_space<vmem>> -> memref<1x2x128x128xf32, #tpu.memory_space<vmem>>
          %dma_wait3A_63 = tpu.memref_squeeze %dma_wait3A_62 : memref<1x2x128x128xf32, #tpu.memory_space<vmem>> -> memref<2x128x128xf32, #tpu.memory_space<vmem>>
          %dma_wait3A_64 = arith.constant 0 : i32
          %dma_wait3A_65 = arith.constant 0 : i32
          %dma_wait3A_66 = tpu.memref_slice %dma_wait3A_63[%dma_wait3A_41, %dma_wait3A_64, %dma_wait3A_65] : memref<2x128x128xf32, #tpu.memory_space<vmem>> -> memref<1x128x128xf32, #tpu.memory_space<vmem>>
          %dma_wait3A_67 = tpu.memref_squeeze %dma_wait3A_66 : memref<1x128x128xf32, #tpu.memory_space<vmem>> -> memref<128x128xf32, #tpu.memory_space<vmem>>
          tpu.wait_dma2 semaphore(%dma_wait3A_56 : memref<!tpu.dma_semaphore, #tpu.memory_space<semaphore_mem>>) src(%dma_wait3A_67 : memref<128x128xf32, #tpu.memory_space<vmem>>) dst(%dma_wait3A_58 : memref<128x128xf32, #tpu.memory_space<hbm>>)
          %mul3A_68 = arith.constant 2 : i32
          %mul3A_69 = arith.muli %sub3A_21, %mul3A_68 : i32
          %add3A_70 = arith.constant 1 : i32
          %add3A_71 = arith.addi %mul3A_69, %add3A_70 : i32
          %mul3A_72 = arith.constant 128 : i32
          %mul3A_73 = arith.muli %add3A_71, %mul3A_72 : i32
          %add3A_74 = arith.addi %mul3A_2, %mul3A_73 : i32
          %dma_wait3A_75 = arith.constant 1 : i32
          %dma_wait3A_76 = arith.constant 1 : i32
          %dma_wait3A_77 = arith.constant 1 : i32
          %dma_wait3A_78 = arith.constant 1 : i32
          %dma_wait3A_79 = arith.constant 0 : i32
          %dma_wait3A_80 = arith.constant 0 : i32
          %dma_wait3A_81 = arith.constant 0 : i32
          %dma_wait3A_82 = tpu.memref_slice %arg6[%dma_wait3A_75, %dma_wait3A_79, %dma_wait3A_80, %dma_wait3A_81] : memref<2x2x128x128xf32, #tpu.memory_space<vmem>> -> memref<1x2x128x128xf32, #tpu.memory_space<vmem>>
          %dma_wait3A_83 = tpu.memref_squeeze %dma_wait3A_82 : memref<1x2x128x128xf32, #tpu.memory_space<vmem>> -> memref<2x128x128xf32, #tpu.memory_space<vmem>>
          %dma_wait3A_84 = arith.constant 0 : i32
          %dma_wait3A_85 = arith.constant 0 : i32
          %dma_wait3A_86 = tpu.memref_slice %dma_wait3A_83[%dma_wait3A_76, %dma_wait3A_84, %dma_wait3A_85] : memref<2x128x128xf32, #tpu.memory_space<vmem>> -> memref<1x128x128xf32, #tpu.memory_space<vmem>>
          %dma_wait3A_87 = tpu.memref_squeeze %dma_wait3A_86 : memref<1x128x128xf32, #tpu.memory_space<vmem>> -> memref<128x128xf32, #tpu.memory_space<vmem>>
          %dma_wait3A_88 = arith.constant 0 : i32
          %dma_wait3A_89 = tpu.memref_slice %arg4[%add3A_74, %dma_wait3A_88] : memref<425984x128xf32, #tpu.memory_space<hbm>> -> memref<128x128xf32, #tpu.memory_space<hbm>>
          %dma_wait3A_90 = tpu.memref_slice %arg8[%dma_wait3A_77, %dma_wait3A_78] : memref<2x2x!tpu.dma_semaphore, #tpu.memory_space<semaphore_mem>> -> memref<1x1x!tpu.dma_semaphore, #tpu.memory_space<semaphore_mem>>
          %dma_wait3A_91 = tpu.memref_squeeze %dma_wait3A_90 : memref<1x1x!tpu.dma_semaphore, #tpu.memory_space<semaphore_mem>> -> memref<!tpu.dma_semaphore, #tpu.memory_space<semaphore_mem>>
          %dma_wait3A_92 = arith.constant 0 : i32
          %dma_wait3A_93 = tpu.memref_slice %arg4[%add3A_74, %dma_wait3A_92] : memref<425984x128xf32, #tpu.memory_space<hbm>> -> memref<128x128xf32, #tpu.memory_space<hbm>>
          %dma_wait3A_94 = arith.constant 0 : i32
          %dma_wait3A_95 = arith.constant 0 : i32
          %dma_wait3A_96 = arith.constant 0 : i32
          %dma_wait3A_97 = tpu.memref_slice %arg6[%dma_wait3A_75, %dma_wait3A_94, %dma_wait3A_95, %dma_wait3A_96] : memref<2x2x128x128xf32, #tpu.memory_space<vmem>> -> memref<1x2x128x128xf32, #tpu.memory_space<vmem>>
          %dma_wait3A_98 = tpu.memref_squeeze %dma_wait3A_97 : memref<1x2x128x128xf32, #tpu.memory_space<vmem>> -> memref<2x128x128xf32, #tpu.memory_space<vmem>>
          %dma_wait3A_99 = arith.constant 0 : i32
          %dma_wait3A_100 = arith.constant 0 : i32
          %dma_wait3A_101 = tpu.memref_slice %dma_wait3A_98[%dma_wait3A_76, %dma_wait3A_99, %dma_wait3A_100] : memref<2x128x128xf32, #tpu.memory_space<vmem>> -> memref<1x128x128xf32, #tpu.memory_space<vmem>>
          %dma_wait3A_102 = tpu.memref_squeeze %dma_wait3A_101 : memref<1x128x128xf32, #tpu.memory_space<vmem>> -> memref<128x128xf32, #tpu.memory_space<vmem>>
          tpu.wait_dma2 semaphore(%dma_wait3A_91 : memref<!tpu.dma_semaphore, #tpu.memory_space<semaphore_mem>>) src(%dma_wait3A_102 : memref<128x128xf32, #tpu.memory_space<vmem>>) dst(%dma_wait3A_93 : memref<128x128xf32, #tpu.memory_space<hbm>>)
        } else {
        }
      } else {
      }
      %lt3A = arith.constant 52 : i32
      %lt3A_11 = arith.cmpi slt, %scan3A_8, %lt3A : i32
      %convert_element_type3A_12 = arith.extui %lt3A_11 : i1 to i32
      %cond3A_13 = arith.constant 0 : i32
      %cond3A_14 = arith.cmpi ne, %convert_element_type3A_12, %cond3A_13 : i32
      scf.if %cond3A_14 {
        %rem3A = arith.constant 2 : i32
        %rem3A_21 = arith.remsi %scan3A_8, %rem3A : i32
        %eq3A = arith.constant 0 : i32
        %eq3A_22 = arith.cmpi eq, %rem3A_21, %eq3A : i32
        %convert_element_type3A_23 = arith.extui %eq3A_22 : i1 to i32
        %cond3A_24 = arith.constant 0 : i32
        %cond3A_25 = arith.cmpi ne, %convert_element_type3A_23, %cond3A_24 : i32
        scf.if %cond3A_25 {
          %mul3A_33 = arith.constant 2 : i32
          %mul3A_34 = arith.muli %scan3A_8, %mul3A_33 : i32
          %add3A_35 = arith.constant 0 : i32
          %add3A_36 = arith.addi %mul3A_34, %add3A_35 : i32
          %dma_start3A = arith.constant 0 : i32
          %dma_start3A_37 = arith.constant 0 : i32
          %dma_start3A_38 = arith.constant 0 : i32
          %dma_start3A_39 = arith.constant 0 : i32
          %dma_start3A_40 = arith.constant 0 : i32
          %dma_start3A_41 = arith.constant 0 : i32
          %dma_start3A_42 = arith.constant 0 : i32
          %dma_start3A_43 = tpu.memref_slice %arg6[%dma_start3A, %dma_start3A_40, %dma_start3A_41, %dma_start3A_42] : memref<2x2x128x128xf32, #tpu.memory_space<vmem>> -> memref<1x2x128x128xf32, #tpu.memory_space<vmem>>
          %dma_start3A_44 = tpu.memref_squeeze %dma_start3A_43 : memref<1x2x128x128xf32, #tpu.memory_space<vmem>> -> memref<2x128x128xf32, #tpu.memory_space<vmem>>
          %dma_start3A_45 = arith.constant 0 : i32
          %dma_start3A_46 = arith.constant 0 : i32
          %dma_start3A_47 = tpu.memref_slice %dma_start3A_44[%dma_start3A_37, %dma_start3A_45, %dma_start3A_46] : memref<2x128x128xf32, #tpu.memory_space<vmem>> -> memref<1x128x128xf32, #tpu.memory_space<vmem>>
          %dma_start3A_48 = tpu.memref_squeeze %dma_start3A_47 : memref<1x128x128xf32, #tpu.memory_space<vmem>> -> memref<128x128xf32, #tpu.memory_space<vmem>>
          %dma_start3A_49 = arith.constant 0 : i32
          %dma_start3A_50 = tpu.memref_slice %arg5[%add3A_36, %dma_start3A_49] : memref<104x128xi32, #tpu.memory_space<vmem>> -> memref<1x128xi32, #tpu.memory_space<vmem>>
          %dma_start3A_51 = tpu.memref_squeeze %dma_start3A_50 : memref<1x128xi32, #tpu.memory_space<vmem>> -> memref<128xi32, #tpu.memory_space<vmem>>
          %dma_start3A_52 = arith.constant 0 : i32
          %dma_start3A_53 = arith.constant 0 : i32
          %dma_start3A_54 = tpu.memref_slice %arg2[%dma_start3A_52, %dma_start3A_53] : memref<1000000x128xf32, #tpu.memory_space<hbm>> -> memref<1000000x128xf32, #tpu.memory_space<hbm>>
          %dma_start3A_55 = tpu.memref_slice %arg7[%dma_start3A_38, %dma_start3A_39] : memref<2x2x!tpu.dma_semaphore, #tpu.memory_space<semaphore_mem>> -> memref<1x1x!tpu.dma_semaphore, #tpu.memory_space<semaphore_mem>>
          %dma_start3A_56 = tpu.memref_squeeze %dma_start3A_55 : memref<1x1x!tpu.dma_semaphore, #tpu.memory_space<semaphore_mem>> -> memref<!tpu.dma_semaphore, #tpu.memory_space<semaphore_mem>>
          tpu.enqueue_indirect_dma source(%dma_start3A_54 : memref<1000000x128xf32, #tpu.memory_space<hbm>>) target(%dma_start3A_48 : memref<128x128xf32, #tpu.memory_space<vmem>>) offsets(%dma_start3A_51 : memref<128xi32, #tpu.memory_space<vmem>>) semaphore(%dma_start3A_56 : memref<!tpu.dma_semaphore, #tpu.memory_space<semaphore_mem>>)
          %mul3A_57 = arith.constant 2 : i32
          %mul3A_58 = arith.muli %scan3A_8, %mul3A_57 : i32
          %add3A_59 = arith.constant 1 : i32
          %add3A_60 = arith.addi %mul3A_58, %add3A_59 : i32
          %dma_start3A_61 = arith.constant 0 : i32
          %dma_start3A_62 = arith.constant 1 : i32
          %dma_start3A_63 = arith.constant 0 : i32
          %dma_start3A_64 = arith.constant 1 : i32
          %dma_start3A_65 = arith.constant 0 : i32
          %dma_start3A_66 = arith.constant 0 : i32
          %dma_start3A_67 = arith.constant 0 : i32
          %dma_start3A_68 = tpu.memref_slice %arg6[%dma_start3A_61, %dma_start3A_65, %dma_start3A_66, %dma_start3A_67] : memref<2x2x128x128xf32, #tpu.memory_space<vmem>> -> memref<1x2x128x128xf32, #tpu.memory_space<vmem>>
          %dma_start3A_69 = tpu.memref_squeeze %dma_start3A_68 : memref<1x2x128x128xf32, #tpu.memory_space<vmem>> -> memref<2x128x128xf32, #tpu.memory_space<vmem>>
          %dma_start3A_70 = arith.constant 0 : i32
          %dma_start3A_71 = arith.constant 0 : i32
          %dma_start3A_72 = tpu.memref_slice %dma_start3A_69[%dma_start3A_62, %dma_start3A_70, %dma_start3A_71] : memref<2x128x128xf32, #tpu.memory_space<vmem>> -> memref<1x128x128xf32, #tpu.memory_space<vmem>>
          %dma_start3A_73 = tpu.memref_squeeze %dma_start3A_72 : memref<1x128x128xf32, #tpu.memory_space<vmem>> -> memref<128x128xf32, #tpu.memory_space<vmem>>
          %dma_start3A_74 = arith.constant 0 : i32
          %dma_start3A_75 = tpu.memref_slice %arg5[%add3A_60, %dma_start3A_74] : memref<104x128xi32, #tpu.memory_space<vmem>> -> memref<1x128xi32, #tpu.memory_space<vmem>>
          %dma_start3A_76 = tpu.memref_squeeze %dma_start3A_75 : memref<1x128xi32, #tpu.memory_space<vmem>> -> memref<128xi32, #tpu.memory_space<vmem>>
          %dma_start3A_77 = arith.constant 0 : i32
          %dma_start3A_78 = arith.constant 0 : i32
          %dma_start3A_79 = tpu.memref_slice %arg2[%dma_start3A_77, %dma_start3A_78] : memref<1000000x128xf32, #tpu.memory_space<hbm>> -> memref<1000000x128xf32, #tpu.memory_space<hbm>>
          %dma_start3A_80 = tpu.memref_slice %arg7[%dma_start3A_63, %dma_start3A_64] : memref<2x2x!tpu.dma_semaphore, #tpu.memory_space<semaphore_mem>> -> memref<1x1x!tpu.dma_semaphore, #tpu.memory_space<semaphore_mem>>
          %dma_start3A_81 = tpu.memref_squeeze %dma_start3A_80 : memref<1x1x!tpu.dma_semaphore, #tpu.memory_space<semaphore_mem>> -> memref<!tpu.dma_semaphore, #tpu.memory_space<semaphore_mem>>
          tpu.enqueue_indirect_dma source(%dma_start3A_79 : memref<1000000x128xf32, #tpu.memory_space<hbm>>) target(%dma_start3A_73 : memref<128x128xf32, #tpu.memory_space<vmem>>) offsets(%dma_start3A_76 : memref<128xi32, #tpu.memory_space<vmem>>) semaphore(%dma_start3A_81 : memref<!tpu.dma_semaphore, #tpu.memory_space<semaphore_mem>>)
        } else {
        }
        %rem3A_26 = arith.constant 2 : i32
        %rem3A_27 = arith.remsi %scan3A_8, %rem3A_26 : i32
        %eq3A_28 = arith.constant 1 : i32
        %eq3A_29 = arith.cmpi eq, %rem3A_27, %eq3A_28 : i32
        %convert_element_type3A_30 = arith.extui %eq3A_29 : i1 to i32
        %cond3A_31 = arith.constant 0 : i32
        %cond3A_32 = arith.cmpi ne, %convert_element_type3A_30, %cond3A_31 : i32
        scf.if %cond3A_32 {
          %mul3A_33 = arith.constant 2 : i32
          %mul3A_34 = arith.muli %scan3A_8, %mul3A_33 : i32
          %add3A_35 = arith.constant 0 : i32
          %add3A_36 = arith.addi %mul3A_34, %add3A_35 : i32
          %dma_start3A = arith.constant 1 : i32
          %dma_start3A_37 = arith.constant 0 : i32
          %dma_start3A_38 = arith.constant 1 : i32
          %dma_start3A_39 = arith.constant 0 : i32
          %dma_start3A_40 = arith.constant 0 : i32
          %dma_start3A_41 = arith.constant 0 : i32
          %dma_start3A_42 = arith.constant 0 : i32
          %dma_start3A_43 = tpu.memref_slice %arg6[%dma_start3A, %dma_start3A_40, %dma_start3A_41, %dma_start3A_42] : memref<2x2x128x128xf32, #tpu.memory_space<vmem>> -> memref<1x2x128x128xf32, #tpu.memory_space<vmem>>
          %dma_start3A_44 = tpu.memref_squeeze %dma_start3A_43 : memref<1x2x128x128xf32, #tpu.memory_space<vmem>> -> memref<2x128x128xf32, #tpu.memory_space<vmem>>
          %dma_start3A_45 = arith.constant 0 : i32
          %dma_start3A_46 = arith.constant 0 : i32
          %dma_start3A_47 = tpu.memref_slice %dma_start3A_44[%dma_start3A_37, %dma_start3A_45, %dma_start3A_46] : memref<2x128x128xf32, #tpu.memory_space<vmem>> -> memref<1x128x128xf32, #tpu.memory_space<vmem>>
          %dma_start3A_48 = tpu.memref_squeeze %dma_start3A_47 : memref<1x128x128xf32, #tpu.memory_space<vmem>> -> memref<128x128xf32, #tpu.memory_space<vmem>>
          %dma_start3A_49 = arith.constant 0 : i32
          %dma_start3A_50 = tpu.memref_slice %arg5[%add3A_36, %dma_start3A_49] : memref<104x128xi32, #tpu.memory_space<vmem>> -> memref<1x128xi32, #tpu.memory_space<vmem>>
          %dma_start3A_51 = tpu.memref_squeeze %dma_start3A_50 : memref<1x128xi32, #tpu.memory_space<vmem>> -> memref<128xi32, #tpu.memory_space<vmem>>
          %dma_start3A_52 = arith.constant 0 : i32
          %dma_start3A_53 = arith.constant 0 : i32
          %dma_start3A_54 = tpu.memref_slice %arg2[%dma_start3A_52, %dma_start3A_53] : memref<1000000x128xf32, #tpu.memory_space<hbm>> -> memref<1000000x128xf32, #tpu.memory_space<hbm>>
          %dma_start3A_55 = tpu.memref_slice %arg7[%dma_start3A_38, %dma_start3A_39] : memref<2x2x!tpu.dma_semaphore, #tpu.memory_space<semaphore_mem>> -> memref<1x1x!tpu.dma_semaphore, #tpu.memory_space<semaphore_mem>>
          %dma_start3A_56 = tpu.memref_squeeze %dma_start3A_55 : memref<1x1x!tpu.dma_semaphore, #tpu.memory_space<semaphore_mem>> -> memref<!tpu.dma_semaphore, #tpu.memory_space<semaphore_mem>>
          tpu.enqueue_indirect_dma source(%dma_start3A_54 : memref<1000000x128xf32, #tpu.memory_space<hbm>>) target(%dma_start3A_48 : memref<128x128xf32, #tpu.memory_space<vmem>>) offsets(%dma_start3A_51 : memref<128xi32, #tpu.memory_space<vmem>>) semaphore(%dma_start3A_56 : memref<!tpu.dma_semaphore, #tpu.memory_space<semaphore_mem>>)
          %mul3A_57 = arith.constant 2 : i32
          %mul3A_58 = arith.muli %scan3A_8, %mul3A_57 : i32
          %add3A_59 = arith.constant 1 : i32
          %add3A_60 = arith.addi %mul3A_58, %add3A_59 : i32
          %dma_start3A_61 = arith.constant 1 : i32
          %dma_start3A_62 = arith.constant 1 : i32
          %dma_start3A_63 = arith.constant 1 : i32
          %dma_start3A_64 = arith.constant 1 : i32
          %dma_start3A_65 = arith.constant 0 : i32
          %dma_start3A_66 = arith.constant 0 : i32
          %dma_start3A_67 = arith.constant 0 : i32
          %dma_start3A_68 = tpu.memref_slice %arg6[%dma_start3A_61, %dma_start3A_65, %dma_start3A_66, %dma_start3A_67] : memref<2x2x128x128xf32, #tpu.memory_space<vmem>> -> memref<1x2x128x128xf32, #tpu.memory_space<vmem>>
          %dma_start3A_69 = tpu.memref_squeeze %dma_start3A_68 : memref<1x2x128x128xf32, #tpu.memory_space<vmem>> -> memref<2x128x128xf32, #tpu.memory_space<vmem>>
          %dma_start3A_70 = arith.constant 0 : i32
          %dma_start3A_71 = arith.constant 0 : i32
          %dma_start3A_72 = tpu.memref_slice %dma_start3A_69[%dma_start3A_62, %dma_start3A_70, %dma_start3A_71] : memref<2x128x128xf32, #tpu.memory_space<vmem>> -> memref<1x128x128xf32, #tpu.memory_space<vmem>>
          %dma_start3A_73 = tpu.memref_squeeze %dma_start3A_72 : memref<1x128x128xf32, #tpu.memory_space<vmem>> -> memref<128x128xf32, #tpu.memory_space<vmem>>
          %dma_start3A_74 = arith.constant 0 : i32
          %dma_start3A_75 = tpu.memref_slice %arg5[%add3A_60, %dma_start3A_74] : memref<104x128xi32, #tpu.memory_space<vmem>> -> memref<1x128xi32, #tpu.memory_space<vmem>>
          %dma_start3A_76 = tpu.memref_squeeze %dma_start3A_75 : memref<1x128xi32, #tpu.memory_space<vmem>> -> memref<128xi32, #tpu.memory_space<vmem>>
          %dma_start3A_77 = arith.constant 0 : i32
          %dma_start3A_78 = arith.constant 0 : i32
          %dma_start3A_79 = tpu.memref_slice %arg2[%dma_start3A_77, %dma_start3A_78] : memref<1000000x128xf32, #tpu.memory_space<hbm>> -> memref<1000000x128xf32, #tpu.memory_space<hbm>>
          %dma_start3A_80 = tpu.memref_slice %arg7[%dma_start3A_63, %dma_start3A_64] : memref<2x2x!tpu.dma_semaphore, #tpu.memory_space<semaphore_mem>> -> memref<1x1x!tpu.dma_semaphore, #tpu.memory_space<semaphore_mem>>
          %dma_start3A_81 = tpu.memref_squeeze %dma_start3A_80 : memref<1x1x!tpu.dma_semaphore, #tpu.memory_space<semaphore_mem>> -> memref<!tpu.dma_semaphore, #tpu.memory_space<semaphore_mem>>
          tpu.enqueue_indirect_dma source(%dma_start3A_79 : memref<1000000x128xf32, #tpu.memory_space<hbm>>) target(%dma_start3A_73 : memref<128x128xf32, #tpu.memory_space<vmem>>) offsets(%dma_start3A_76 : memref<128xi32, #tpu.memory_space<vmem>>) semaphore(%dma_start3A_81 : memref<!tpu.dma_semaphore, #tpu.memory_space<semaphore_mem>>)
        } else {
        }
      } else {
      }
      %ge3A_15 = arith.constant 1 : i32
      %ge3A_16 = arith.cmpi sge, %scan3A_8, %ge3A_15 : i32
      %le3A = arith.constant 52 : i32
      %le3A_17 = arith.cmpi sle, %scan3A_8, %le3A : i32
      %and3A = arith.andi %ge3A_16, %le3A_17 : i1
      %convert_element_type3A_18 = arith.extui %and3A : i1 to i32
      %cond3A_19 = arith.constant 0 : i32
      %cond3A_20 = arith.cmpi ne, %convert_element_type3A_18, %cond3A_19 : i32
      scf.if %cond3A_20 {
        %sub3A = arith.constant 1 : i32
        %sub3A_21 = arith.subi %scan3A_8, %sub3A : i32
        %rem3A = arith.constant 2 : i32
        %rem3A_22 = arith.remsi %sub3A_21, %rem3A : i32
        %eq3A = arith.constant 0 : i32
        %eq3A_23 = arith.cmpi eq, %rem3A_22, %eq3A : i32
        %convert_element_type3A_24 = arith.extui %eq3A_23 : i1 to i32
        %cond3A_25 = arith.constant 0 : i32
        %cond3A_26 = arith.cmpi ne, %convert_element_type3A_24, %cond3A_25 : i32
        scf.if %cond3A_26 {
          %mul3A_34 = arith.constant 2 : i32
          %mul3A_35 = arith.muli %sub3A_21, %mul3A_34 : i32
          %add3A_36 = arith.constant 0 : i32
          %add3A_37 = arith.addi %mul3A_35, %add3A_36 : i32
          %dma_wait3A = arith.constant 0 : i32
          %dma_wait3A_38 = arith.constant 0 : i32
          %dma_wait3A_39 = arith.constant 0 : i32
          %dma_wait3A_40 = arith.constant 0 : i32
          %dma_wait3A_41 = arith.constant 0 : i32
          %dma_wait3A_42 = arith.constant 0 : i32
          %dma_wait3A_43 = arith.constant 0 : i32
          %dma_wait3A_44 = tpu.memref_slice %arg6[%dma_wait3A, %dma_wait3A_41, %dma_wait3A_42, %dma_wait3A_43] : memref<2x2x128x128xf32, #tpu.memory_space<vmem>> -> memref<1x2x128x128xf32, #tpu.memory_space<vmem>>
          %dma_wait3A_45 = tpu.memref_squeeze %dma_wait3A_44 : memref<1x2x128x128xf32, #tpu.memory_space<vmem>> -> memref<2x128x128xf32, #tpu.memory_space<vmem>>
          %dma_wait3A_46 = arith.constant 0 : i32
          %dma_wait3A_47 = arith.constant 0 : i32
          %dma_wait3A_48 = tpu.memref_slice %dma_wait3A_45[%dma_wait3A_38, %dma_wait3A_46, %dma_wait3A_47] : memref<2x128x128xf32, #tpu.memory_space<vmem>> -> memref<1x128x128xf32, #tpu.memory_space<vmem>>
          %dma_wait3A_49 = tpu.memref_squeeze %dma_wait3A_48 : memref<1x128x128xf32, #tpu.memory_space<vmem>> -> memref<128x128xf32, #tpu.memory_space<vmem>>
          %dma_wait3A_50 = arith.constant 0 : i32
          %dma_wait3A_51 = tpu.memref_slice %arg5[%add3A_37, %dma_wait3A_50] : memref<104x128xi32, #tpu.memory_space<vmem>> -> memref<1x128xi32, #tpu.memory_space<vmem>>
          %dma_wait3A_52 = tpu.memref_squeeze %dma_wait3A_51 : memref<1x128xi32, #tpu.memory_space<vmem>> -> memref<128xi32, #tpu.memory_space<vmem>>
          %dma_wait3A_53 = arith.constant 0 : i32
          %dma_wait3A_54 = arith.constant 0 : i32
          %dma_wait3A_55 = tpu.memref_slice %arg2[%dma_wait3A_53, %dma_wait3A_54] : memref<1000000x128xf32, #tpu.memory_space<hbm>> -> memref<1000000x128xf32, #tpu.memory_space<hbm>>
          %dma_wait3A_56 = tpu.memref_slice %arg7[%dma_wait3A_39, %dma_wait3A_40] : memref<2x2x!tpu.dma_semaphore, #tpu.memory_space<semaphore_mem>> -> memref<1x1x!tpu.dma_semaphore, #tpu.memory_space<semaphore_mem>>
          %dma_wait3A_57 = tpu.memref_squeeze %dma_wait3A_56 : memref<1x1x!tpu.dma_semaphore, #tpu.memory_space<semaphore_mem>> -> memref<!tpu.dma_semaphore, #tpu.memory_space<semaphore_mem>>
          tpu.wait_indirect_dma semaphore(%dma_wait3A_57 : memref<!tpu.dma_semaphore, #tpu.memory_space<semaphore_mem>>) src(%dma_wait3A_55 : memref<1000000x128xf32, #tpu.memory_space<hbm>>) dst(%dma_wait3A_49 : memref<128x128xf32, #tpu.memory_space<vmem>>)
          %mul3A_58 = arith.constant 2 : i32
          %mul3A_59 = arith.muli %sub3A_21, %mul3A_58 : i32
          %add3A_60 = arith.constant 1 : i32
          %add3A_61 = arith.addi %mul3A_59, %add3A_60 : i32
          %dma_wait3A_62 = arith.constant 0 : i32
          %dma_wait3A_63 = arith.constant 1 : i32
          %dma_wait3A_64 = arith.constant 0 : i32
          %dma_wait3A_65 = arith.constant 1 : i32
          %dma_wait3A_66 = arith.constant 0 : i32
          %dma_wait3A_67 = arith.constant 0 : i32
          %dma_wait3A_68 = arith.constant 0 : i32
          %dma_wait3A_69 = tpu.memref_slice %arg6[%dma_wait3A_62, %dma_wait3A_66, %dma_wait3A_67, %dma_wait3A_68] : memref<2x2x128x128xf32, #tpu.memory_space<vmem>> -> memref<1x2x128x128xf32, #tpu.memory_space<vmem>>
          %dma_wait3A_70 = tpu.memref_squeeze %dma_wait3A_69 : memref<1x2x128x128xf32, #tpu.memory_space<vmem>> -> memref<2x128x128xf32, #tpu.memory_space<vmem>>
          %dma_wait3A_71 = arith.constant 0 : i32
          %dma_wait3A_72 = arith.constant 0 : i32
          %dma_wait3A_73 = tpu.memref_slice %dma_wait3A_70[%dma_wait3A_63, %dma_wait3A_71, %dma_wait3A_72] : memref<2x128x128xf32, #tpu.memory_space<vmem>> -> memref<1x128x128xf32, #tpu.memory_space<vmem>>
          %dma_wait3A_74 = tpu.memref_squeeze %dma_wait3A_73 : memref<1x128x128xf32, #tpu.memory_space<vmem>> -> memref<128x128xf32, #tpu.memory_space<vmem>>
          %dma_wait3A_75 = arith.constant 0 : i32
          %dma_wait3A_76 = tpu.memref_slice %arg5[%add3A_61, %dma_wait3A_75] : memref<104x128xi32, #tpu.memory_space<vmem>> -> memref<1x128xi32, #tpu.memory_space<vmem>>
          %dma_wait3A_77 = tpu.memref_squeeze %dma_wait3A_76 : memref<1x128xi32, #tpu.memory_space<vmem>> -> memref<128xi32, #tpu.memory_space<vmem>>
          %dma_wait3A_78 = arith.constant 0 : i32
          %dma_wait3A_79 = arith.constant 0 : i32
          %dma_wait3A_80 = tpu.memref_slice %arg2[%dma_wait3A_78, %dma_wait3A_79] : memref<1000000x128xf32, #tpu.memory_space<hbm>> -> memref<1000000x128xf32, #tpu.memory_space<hbm>>
          %dma_wait3A_81 = tpu.memref_slice %arg7[%dma_wait3A_64, %dma_wait3A_65] : memref<2x2x!tpu.dma_semaphore, #tpu.memory_space<semaphore_mem>> -> memref<1x1x!tpu.dma_semaphore, #tpu.memory_space<semaphore_mem>>
          %dma_wait3A_82 = tpu.memref_squeeze %dma_wait3A_81 : memref<1x1x!tpu.dma_semaphore, #tpu.memory_space<semaphore_mem>> -> memref<!tpu.dma_semaphore, #tpu.memory_space<semaphore_mem>>
          tpu.wait_indirect_dma semaphore(%dma_wait3A_82 : memref<!tpu.dma_semaphore, #tpu.memory_space<semaphore_mem>>) src(%dma_wait3A_80 : memref<1000000x128xf32, #tpu.memory_space<hbm>>) dst(%dma_wait3A_74 : memref<128x128xf32, #tpu.memory_space<vmem>>)
          %mul3A_83 = arith.constant 2 : i32
          %mul3A_84 = arith.muli %sub3A_21, %mul3A_83 : i32
          %add3A_85 = arith.constant 0 : i32
          %add3A_86 = arith.addi %mul3A_84, %add3A_85 : i32
          %mul3A_87 = arith.constant 128 : i32
          %mul3A_88 = arith.muli %add3A_86, %mul3A_87 : i32
          %add3A_89 = arith.addi %mul3A_2, %mul3A_88 : i32
          %dma_start3A = arith.constant 0 : i32
          %dma_start3A_90 = arith.constant 0 : i32
          %dma_start3A_91 = arith.constant 0 : i32
          %dma_start3A_92 = arith.constant 0 : i32
          %dma_start3A_93 = arith.constant 0 : i32
          %dma_start3A_94 = arith.constant 0 : i32
          %dma_start3A_95 = arith.constant 0 : i32
          %dma_start3A_96 = tpu.memref_slice %arg6[%dma_start3A, %dma_start3A_93, %dma_start3A_94, %dma_start3A_95] : memref<2x2x128x128xf32, #tpu.memory_space<vmem>> -> memref<1x2x128x128xf32, #tpu.memory_space<vmem>>
          %dma_start3A_97 = tpu.memref_squeeze %dma_start3A_96 : memref<1x2x128x128xf32, #tpu.memory_space<vmem>> -> memref<2x128x128xf32, #tpu.memory_space<vmem>>
          %dma_start3A_98 = arith.constant 0 : i32
          %dma_start3A_99 = arith.constant 0 : i32
          %dma_start3A_100 = tpu.memref_slice %dma_start3A_97[%dma_start3A_90, %dma_start3A_98, %dma_start3A_99] : memref<2x128x128xf32, #tpu.memory_space<vmem>> -> memref<1x128x128xf32, #tpu.memory_space<vmem>>
          %dma_start3A_101 = tpu.memref_squeeze %dma_start3A_100 : memref<1x128x128xf32, #tpu.memory_space<vmem>> -> memref<128x128xf32, #tpu.memory_space<vmem>>
          %dma_start3A_102 = arith.constant 0 : i32
          %dma_start3A_103 = tpu.memref_slice %arg4[%add3A_89, %dma_start3A_102] : memref<425984x128xf32, #tpu.memory_space<hbm>> -> memref<128x128xf32, #tpu.memory_space<hbm>>
          %dma_start3A_104 = tpu.memref_slice %arg8[%dma_start3A_91, %dma_start3A_92] : memref<2x2x!tpu.dma_semaphore, #tpu.memory_space<semaphore_mem>> -> memref<1x1x!tpu.dma_semaphore, #tpu.memory_space<semaphore_mem>>
          %dma_start3A_105 = tpu.memref_squeeze %dma_start3A_104 : memref<1x1x!tpu.dma_semaphore, #tpu.memory_space<semaphore_mem>> -> memref<!tpu.dma_semaphore, #tpu.memory_space<semaphore_mem>>
          %dma_start3A_106 = arith.constant 0 : i32
          %dma_start3A_107 = tpu.memref_slice %arg4[%add3A_89, %dma_start3A_106] : memref<425984x128xf32, #tpu.memory_space<hbm>> -> memref<128x128xf32, #tpu.memory_space<hbm>>
          %dma_start3A_108 = arith.constant 0 : i32
          %dma_start3A_109 = arith.constant 0 : i32
          %dma_start3A_110 = arith.constant 0 : i32
          %dma_start3A_111 = tpu.memref_slice %arg6[%dma_start3A, %dma_start3A_108, %dma_start3A_109, %dma_start3A_110] : memref<2x2x128x128xf32, #tpu.memory_space<vmem>> -> memref<1x2x128x128xf32, #tpu.memory_space<vmem>>
          %dma_start3A_112 = tpu.memref_squeeze %dma_start3A_111 : memref<1x2x128x128xf32, #tpu.memory_space<vmem>> -> memref<2x128x128xf32, #tpu.memory_space<vmem>>
          %dma_start3A_113 = arith.constant 0 : i32
          %dma_start3A_114 = arith.constant 0 : i32
          %dma_start3A_115 = tpu.memref_slice %dma_start3A_112[%dma_start3A_90, %dma_start3A_113, %dma_start3A_114] : memref<2x128x128xf32, #tpu.memory_space<vmem>> -> memref<1x128x128xf32, #tpu.memory_space<vmem>>
          %dma_start3A_116 = tpu.memref_squeeze %dma_start3A_115 : memref<1x128x128xf32, #tpu.memory_space<vmem>> -> memref<128x128xf32, #tpu.memory_space<vmem>>
          tpu.enqueue_dma source(%dma_start3A_116 : memref<128x128xf32, #tpu.memory_space<vmem>>) target(%dma_start3A_107 : memref<128x128xf32, #tpu.memory_space<hbm>>) target_semaphore(%dma_start3A_105 : memref<!tpu.dma_semaphore, #tpu.memory_space<semaphore_mem>>)
          %mul3A_117 = arith.constant 2 : i32
          %mul3A_118 = arith.muli %sub3A_21, %mul3A_117 : i32
          %add3A_119 = arith.constant 1 : i32
          %add3A_120 = arith.addi %mul3A_118, %add3A_119 : i32
          %mul3A_121 = arith.constant 128 : i32
          %mul3A_122 = arith.muli %add3A_120, %mul3A_121 : i32
          %add3A_123 = arith.addi %mul3A_2, %mul3A_122 : i32
          %dma_start3A_124 = arith.constant 0 : i32
          %dma_start3A_125 = arith.constant 1 : i32
          %dma_start3A_126 = arith.constant 0 : i32
          %dma_start3A_127 = arith.constant 1 : i32
          %dma_start3A_128 = arith.constant 0 : i32
          %dma_start3A_129 = arith.constant 0 : i32
          %dma_start3A_130 = arith.constant 0 : i32
          %dma_start3A_131 = tpu.memref_slice %arg6[%dma_start3A_124, %dma_start3A_128, %dma_start3A_129, %dma_start3A_130] : memref<2x2x128x128xf32, #tpu.memory_space<vmem>> -> memref<1x2x128x128xf32, #tpu.memory_space<vmem>>
          %dma_start3A_132 = tpu.memref_squeeze %dma_start3A_131 : memref<1x2x128x128xf32, #tpu.memory_space<vmem>> -> memref<2x128x128xf32, #tpu.memory_space<vmem>>
          %dma_start3A_133 = arith.constant 0 : i32
          %dma_start3A_134 = arith.constant 0 : i32
          %dma_start3A_135 = tpu.memref_slice %dma_start3A_132[%dma_start3A_125, %dma_start3A_133, %dma_start3A_134] : memref<2x128x128xf32, #tpu.memory_space<vmem>> -> memref<1x128x128xf32, #tpu.memory_space<vmem>>
          %dma_start3A_136 = tpu.memref_squeeze %dma_start3A_135 : memref<1x128x128xf32, #tpu.memory_space<vmem>> -> memref<128x128xf32, #tpu.memory_space<vmem>>
          %dma_start3A_137 = arith.constant 0 : i32
          %dma_start3A_138 = tpu.memref_slice %arg4[%add3A_123, %dma_start3A_137] : memref<425984x128xf32, #tpu.memory_space<hbm>> -> memref<128x128xf32, #tpu.memory_space<hbm>>
          %dma_start3A_139 = tpu.memref_slice %arg8[%dma_start3A_126, %dma_start3A_127] : memref<2x2x!tpu.dma_semaphore, #tpu.memory_space<semaphore_mem>> -> memref<1x1x!tpu.dma_semaphore, #tpu.memory_space<semaphore_mem>>
          %dma_start3A_140 = tpu.memref_squeeze %dma_start3A_139 : memref<1x1x!tpu.dma_semaphore, #tpu.memory_space<semaphore_mem>> -> memref<!tpu.dma_semaphore, #tpu.memory_space<semaphore_mem>>
          %dma_start3A_141 = arith.constant 0 : i32
          %dma_start3A_142 = tpu.memref_slice %arg4[%add3A_123, %dma_start3A_141] : memref<425984x128xf32, #tpu.memory_space<hbm>> -> memref<128x128xf32, #tpu.memory_space<hbm>>
          %dma_start3A_143 = arith.constant 0 : i32
          %dma_start3A_144 = arith.constant 0 : i32
          %dma_start3A_145 = arith.constant 0 : i32
          %dma_start3A_146 = tpu.memref_slice %arg6[%dma_start3A_124, %dma_start3A_143, %dma_start3A_144, %dma_start3A_145] : memref<2x2x128x128xf32, #tpu.memory_space<vmem>> -> memref<1x2x128x128xf32, #tpu.memory_space<vmem>>
          %dma_start3A_147 = tpu.memref_squeeze %dma_start3A_146 : memref<1x2x128x128xf32, #tpu.memory_space<vmem>> -> memref<2x128x128xf32, #tpu.memory_space<vmem>>
          %dma_start3A_148 = arith.constant 0 : i32
          %dma_start3A_149 = arith.constant 0 : i32
          %dma_start3A_150 = tpu.memref_slice %dma_start3A_147[%dma_start3A_125, %dma_start3A_148, %dma_start3A_149] : memref<2x128x128xf32, #tpu.memory_space<vmem>> -> memref<1x128x128xf32, #tpu.memory_space<vmem>>
          %dma_start3A_151 = tpu.memref_squeeze %dma_start3A_150 : memref<1x128x128xf32, #tpu.memory_space<vmem>> -> memref<128x128xf32, #tpu.memory_space<vmem>>
          tpu.enqueue_dma source(%dma_start3A_151 : memref<128x128xf32, #tpu.memory_space<vmem>>) target(%dma_start3A_142 : memref<128x128xf32, #tpu.memory_space<hbm>>) target_semaphore(%dma_start3A_140 : memref<!tpu.dma_semaphore, #tpu.memory_space<semaphore_mem>>)
        } else {
        }
        %rem3A_27 = arith.constant 2 : i32
        %rem3A_28 = arith.remsi %sub3A_21, %rem3A_27 : i32
        %eq3A_29 = arith.constant 1 : i32
        %eq3A_30 = arith.cmpi eq, %rem3A_28, %eq3A_29 : i32
        %convert_element_type3A_31 = arith.extui %eq3A_30 : i1 to i32
        %cond3A_32 = arith.constant 0 : i32
        %cond3A_33 = arith.cmpi ne, %convert_element_type3A_31, %cond3A_32 : i32
        scf.if %cond3A_33 {
          %mul3A_34 = arith.constant 2 : i32
          %mul3A_35 = arith.muli %sub3A_21, %mul3A_34 : i32
          %add3A_36 = arith.constant 0 : i32
          %add3A_37 = arith.addi %mul3A_35, %add3A_36 : i32
          %dma_wait3A = arith.constant 1 : i32
          %dma_wait3A_38 = arith.constant 0 : i32
          %dma_wait3A_39 = arith.constant 1 : i32
          %dma_wait3A_40 = arith.constant 0 : i32
          %dma_wait3A_41 = arith.constant 0 : i32
          %dma_wait3A_42 = arith.constant 0 : i32
          %dma_wait3A_43 = arith.constant 0 : i32
          %dma_wait3A_44 = tpu.memref_slice %arg6[%dma_wait3A, %dma_wait3A_41, %dma_wait3A_42, %dma_wait3A_43] : memref<2x2x128x128xf32, #tpu.memory_space<vmem>> -> memref<1x2x128x128xf32, #tpu.memory_space<vmem>>
          %dma_wait3A_45 = tpu.memref_squeeze %dma_wait3A_44 : memref<1x2x128x128xf32, #tpu.memory_space<vmem>> -> memref<2x128x128xf32, #tpu.memory_space<vmem>>
          %dma_wait3A_46 = arith.constant 0 : i32
          %dma_wait3A_47 = arith.constant 0 : i32
          %dma_wait3A_48 = tpu.memref_slice %dma_wait3A_45[%dma_wait3A_38, %dma_wait3A_46, %dma_wait3A_47] : memref<2x128x128xf32, #tpu.memory_space<vmem>> -> memref<1x128x128xf32, #tpu.memory_space<vmem>>
          %dma_wait3A_49 = tpu.memref_squeeze %dma_wait3A_48 : memref<1x128x128xf32, #tpu.memory_space<vmem>> -> memref<128x128xf32, #tpu.memory_space<vmem>>
          %dma_wait3A_50 = arith.constant 0 : i32
          %dma_wait3A_51 = tpu.memref_slice %arg5[%add3A_37, %dma_wait3A_50] : memref<104x128xi32, #tpu.memory_space<vmem>> -> memref<1x128xi32, #tpu.memory_space<vmem>>
          %dma_wait3A_52 = tpu.memref_squeeze %dma_wait3A_51 : memref<1x128xi32, #tpu.memory_space<vmem>> -> memref<128xi32, #tpu.memory_space<vmem>>
          %dma_wait3A_53 = arith.constant 0 : i32
          %dma_wait3A_54 = arith.constant 0 : i32
          %dma_wait3A_55 = tpu.memref_slice %arg2[%dma_wait3A_53, %dma_wait3A_54] : memref<1000000x128xf32, #tpu.memory_space<hbm>> -> memref<1000000x128xf32, #tpu.memory_space<hbm>>
          %dma_wait3A_56 = tpu.memref_slice %arg7[%dma_wait3A_39, %dma_wait3A_40] : memref<2x2x!tpu.dma_semaphore, #tpu.memory_space<semaphore_mem>> -> memref<1x1x!tpu.dma_semaphore, #tpu.memory_space<semaphore_mem>>
          %dma_wait3A_57 = tpu.memref_squeeze %dma_wait3A_56 : memref<1x1x!tpu.dma_semaphore, #tpu.memory_space<semaphore_mem>> -> memref<!tpu.dma_semaphore, #tpu.memory_space<semaphore_mem>>
          tpu.wait_indirect_dma semaphore(%dma_wait3A_57 : memref<!tpu.dma_semaphore, #tpu.memory_space<semaphore_mem>>) src(%dma_wait3A_55 : memref<1000000x128xf32, #tpu.memory_space<hbm>>) dst(%dma_wait3A_49 : memref<128x128xf32, #tpu.memory_space<vmem>>)
          %mul3A_58 = arith.constant 2 : i32
          %mul3A_59 = arith.muli %sub3A_21, %mul3A_58 : i32
          %add3A_60 = arith.constant 1 : i32
          %add3A_61 = arith.addi %mul3A_59, %add3A_60 : i32
          %dma_wait3A_62 = arith.constant 1 : i32
          %dma_wait3A_63 = arith.constant 1 : i32
          %dma_wait3A_64 = arith.constant 1 : i32
          %dma_wait3A_65 = arith.constant 1 : i32
          %dma_wait3A_66 = arith.constant 0 : i32
          %dma_wait3A_67 = arith.constant 0 : i32
          %dma_wait3A_68 = arith.constant 0 : i32
          %dma_wait3A_69 = tpu.memref_slice %arg6[%dma_wait3A_62, %dma_wait3A_66, %dma_wait3A_67, %dma_wait3A_68] : memref<2x2x128x128xf32, #tpu.memory_space<vmem>> -> memref<1x2x128x128xf32, #tpu.memory_space<vmem>>
          %dma_wait3A_70 = tpu.memref_squeeze %dma_wait3A_69 : memref<1x2x128x128xf32, #tpu.memory_space<vmem>> -> memref<2x128x128xf32, #tpu.memory_space<vmem>>
          %dma_wait3A_71 = arith.constant 0 : i32
          %dma_wait3A_72 = arith.constant 0 : i32
          %dma_wait3A_73 = tpu.memref_slice %dma_wait3A_70[%dma_wait3A_63, %dma_wait3A_71, %dma_wait3A_72] : memref<2x128x128xf32, #tpu.memory_space<vmem>> -> memref<1x128x128xf32, #tpu.memory_space<vmem>>
          %dma_wait3A_74 = tpu.memref_squeeze %dma_wait3A_73 : memref<1x128x128xf32, #tpu.memory_space<vmem>> -> memref<128x128xf32, #tpu.memory_space<vmem>>
          %dma_wait3A_75 = arith.constant 0 : i32
          %dma_wait3A_76 = tpu.memref_slice %arg5[%add3A_61, %dma_wait3A_75] : memref<104x128xi32, #tpu.memory_space<vmem>> -> memref<1x128xi32, #tpu.memory_space<vmem>>
          %dma_wait3A_77 = tpu.memref_squeeze %dma_wait3A_76 : memref<1x128xi32, #tpu.memory_space<vmem>> -> memref<128xi32, #tpu.memory_space<vmem>>
          %dma_wait3A_78 = arith.constant 0 : i32
          %dma_wait3A_79 = arith.constant 0 : i32
          %dma_wait3A_80 = tpu.memref_slice %arg2[%dma_wait3A_78, %dma_wait3A_79] : memref<1000000x128xf32, #tpu.memory_space<hbm>> -> memref<1000000x128xf32, #tpu.memory_space<hbm>>
          %dma_wait3A_81 = tpu.memref_slice %arg7[%dma_wait3A_64, %dma_wait3A_65] : memref<2x2x!tpu.dma_semaphore, #tpu.memory_space<semaphore_mem>> -> memref<1x1x!tpu.dma_semaphore, #tpu.memory_space<semaphore_mem>>
          %dma_wait3A_82 = tpu.memref_squeeze %dma_wait3A_81 : memref<1x1x!tpu.dma_semaphore, #tpu.memory_space<semaphore_mem>> -> memref<!tpu.dma_semaphore, #tpu.memory_space<semaphore_mem>>
          tpu.wait_indirect_dma semaphore(%dma_wait3A_82 : memref<!tpu.dma_semaphore, #tpu.memory_space<semaphore_mem>>) src(%dma_wait3A_80 : memref<1000000x128xf32, #tpu.memory_space<hbm>>) dst(%dma_wait3A_74 : memref<128x128xf32, #tpu.memory_space<vmem>>)
          %mul3A_83 = arith.constant 2 : i32
          %mul3A_84 = arith.muli %sub3A_21, %mul3A_83 : i32
          %add3A_85 = arith.constant 0 : i32
          %add3A_86 = arith.addi %mul3A_84, %add3A_85 : i32
          %mul3A_87 = arith.constant 128 : i32
          %mul3A_88 = arith.muli %add3A_86, %mul3A_87 : i32
          %add3A_89 = arith.addi %mul3A_2, %mul3A_88 : i32
          %dma_start3A = arith.constant 1 : i32
          %dma_start3A_90 = arith.constant 0 : i32
          %dma_start3A_91 = arith.constant 1 : i32
          %dma_start3A_92 = arith.constant 0 : i32
          %dma_start3A_93 = arith.constant 0 : i32
          %dma_start3A_94 = arith.constant 0 : i32
          %dma_start3A_95 = arith.constant 0 : i32
          %dma_start3A_96 = tpu.memref_slice %arg6[%dma_start3A, %dma_start3A_93, %dma_start3A_94, %dma_start3A_95] : memref<2x2x128x128xf32, #tpu.memory_space<vmem>> -> memref<1x2x128x128xf32, #tpu.memory_space<vmem>>
          %dma_start3A_97 = tpu.memref_squeeze %dma_start3A_96 : memref<1x2x128x128xf32, #tpu.memory_space<vmem>> -> memref<2x128x128xf32, #tpu.memory_space<vmem>>
          %dma_start3A_98 = arith.constant 0 : i32
          %dma_start3A_99 = arith.constant 0 : i32
          %dma_start3A_100 = tpu.memref_slice %dma_start3A_97[%dma_start3A_90, %dma_start3A_98, %dma_start3A_99] : memref<2x128x128xf32, #tpu.memory_space<vmem>> -> memref<1x128x128xf32, #tpu.memory_space<vmem>>
          %dma_start3A_101 = tpu.memref_squeeze %dma_start3A_100 : memref<1x128x128xf32, #tpu.memory_space<vmem>> -> memref<128x128xf32, #tpu.memory_space<vmem>>
          %dma_start3A_102 = arith.constant 0 : i32
          %dma_start3A_103 = tpu.memref_slice %arg4[%add3A_89, %dma_start3A_102] : memref<425984x128xf32, #tpu.memory_space<hbm>> -> memref<128x128xf32, #tpu.memory_space<hbm>>
          %dma_start3A_104 = tpu.memref_slice %arg8[%dma_start3A_91, %dma_start3A_92] : memref<2x2x!tpu.dma_semaphore, #tpu.memory_space<semaphore_mem>> -> memref<1x1x!tpu.dma_semaphore, #tpu.memory_space<semaphore_mem>>
          %dma_start3A_105 = tpu.memref_squeeze %dma_start3A_104 : memref<1x1x!tpu.dma_semaphore, #tpu.memory_space<semaphore_mem>> -> memref<!tpu.dma_semaphore, #tpu.memory_space<semaphore_mem>>
          %dma_start3A_106 = arith.constant 0 : i32
          %dma_start3A_107 = tpu.memref_slice %arg4[%add3A_89, %dma_start3A_106] : memref<425984x128xf32, #tpu.memory_space<hbm>> -> memref<128x128xf32, #tpu.memory_space<hbm>>
          %dma_start3A_108 = arith.constant 0 : i32
          %dma_start3A_109 = arith.constant 0 : i32
          %dma_start3A_110 = arith.constant 0 : i32
          %dma_start3A_111 = tpu.memref_slice %arg6[%dma_start3A, %dma_start3A_108, %dma_start3A_109, %dma_start3A_110] : memref<2x2x128x128xf32, #tpu.memory_space<vmem>> -> memref<1x2x128x128xf32, #tpu.memory_space<vmem>>
          %dma_start3A_112 = tpu.memref_squeeze %dma_start3A_111 : memref<1x2x128x128xf32, #tpu.memory_space<vmem>> -> memref<2x128x128xf32, #tpu.memory_space<vmem>>
          %dma_start3A_113 = arith.constant 0 : i32
          %dma_start3A_114 = arith.constant 0 : i32
          %dma_start3A_115 = tpu.memref_slice %dma_start3A_112[%dma_start3A_90, %dma_start3A_113, %dma_start3A_114] : memref<2x128x128xf32, #tpu.memory_space<vmem>> -> memref<1x128x128xf32, #tpu.memory_space<vmem>>
          %dma_start3A_116 = tpu.memref_squeeze %dma_start3A_115 : memref<1x128x128xf32, #tpu.memory_space<vmem>> -> memref<128x128xf32, #tpu.memory_space<vmem>>
          tpu.enqueue_dma source(%dma_start3A_116 : memref<128x128xf32, #tpu.memory_space<vmem>>) target(%dma_start3A_107 : memref<128x128xf32, #tpu.memory_space<hbm>>) target_semaphore(%dma_start3A_105 : memref<!tpu.dma_semaphore, #tpu.memory_space<semaphore_mem>>)
          %mul3A_117 = arith.constant 2 : i32
          %mul3A_118 = arith.muli %sub3A_21, %mul3A_117 : i32
          %add3A_119 = arith.constant 1 : i32
          %add3A_120 = arith.addi %mul3A_118, %add3A_119 : i32
          %mul3A_121 = arith.constant 128 : i32
          %mul3A_122 = arith.muli %add3A_120, %mul3A_121 : i32
          %add3A_123 = arith.addi %mul3A_2, %mul3A_122 : i32
          %dma_start3A_124 = arith.constant 1 : i32
          %dma_start3A_125 = arith.constant 1 : i32
          %dma_start3A_126 = arith.constant 1 : i32
          %dma_start3A_127 = arith.constant 1 : i32
          %dma_start3A_128 = arith.constant 0 : i32
          %dma_start3A_129 = arith.constant 0 : i32
          %dma_start3A_130 = arith.constant 0 : i32
          %dma_start3A_131 = tpu.memref_slice %arg6[%dma_start3A_124, %dma_start3A_128, %dma_start3A_129, %dma_start3A_130] : memref<2x2x128x128xf32, #tpu.memory_space<vmem>> -> memref<1x2x128x128xf32, #tpu.memory_space<vmem>>
          %dma_start3A_132 = tpu.memref_squeeze %dma_start3A_131 : memref<1x2x128x128xf32, #tpu.memory_space<vmem>> -> memref<2x128x128xf32, #tpu.memory_space<vmem>>
          %dma_start3A_133 = arith.constant 0 : i32
          %dma_start3A_134 = arith.constant 0 : i32
          %dma_start3A_135 = tpu.memref_slice %dma_start3A_132[%dma_start3A_125, %dma_start3A_133, %dma_start3A_134] : memref<2x128x128xf32, #tpu.memory_space<vmem>> -> memref<1x128x128xf32, #tpu.memory_space<vmem>>
          %dma_start3A_136 = tpu.memref_squeeze %dma_start3A_135 : memref<1x128x128xf32, #tpu.memory_space<vmem>> -> memref<128x128xf32, #tpu.memory_space<vmem>>
          %dma_start3A_137 = arith.constant 0 : i32
          %dma_start3A_138 = tpu.memref_slice %arg4[%add3A_123, %dma_start3A_137] : memref<425984x128xf32, #tpu.memory_space<hbm>> -> memref<128x128xf32, #tpu.memory_space<hbm>>
          %dma_start3A_139 = tpu.memref_slice %arg8[%dma_start3A_126, %dma_start3A_127] : memref<2x2x!tpu.dma_semaphore, #tpu.memory_space<semaphore_mem>> -> memref<1x1x!tpu.dma_semaphore, #tpu.memory_space<semaphore_mem>>
          %dma_start3A_140 = tpu.memref_squeeze %dma_start3A_139 : memref<1x1x!tpu.dma_semaphore, #tpu.memory_space<semaphore_mem>> -> memref<!tpu.dma_semaphore, #tpu.memory_space<semaphore_mem>>
          %dma_start3A_141 = arith.constant 0 : i32
          %dma_start3A_142 = tpu.memref_slice %arg4[%add3A_123, %dma_start3A_141] : memref<425984x128xf32, #tpu.memory_space<hbm>> -> memref<128x128xf32, #tpu.memory_space<hbm>>
          %dma_start3A_143 = arith.constant 0 : i32
          %dma_start3A_144 = arith.constant 0 : i32
          %dma_start3A_145 = arith.constant 0 : i32
          %dma_start3A_146 = tpu.memref_slice %arg6[%dma_start3A_124, %dma_start3A_143, %dma_start3A_144, %dma_start3A_145] : memref<2x2x128x128xf32, #tpu.memory_space<vmem>> -> memref<1x2x128x128xf32, #tpu.memory_space<vmem>>
          %dma_start3A_147 = tpu.memref_squeeze %dma_start3A_146 : memref<1x2x128x128xf32, #tpu.memory_space<vmem>> -> memref<2x128x128xf32, #tpu.memory_space<vmem>>
          %dma_start3A_148 = arith.constant 0 : i32
          %dma_start3A_149 = arith.constant 0 : i32
          %dma_start3A_150 = tpu.memref_slice %dma_start3A_147[%dma_start3A_125, %dma_start3A_148, %dma_start3A_149] : memref<2x128x128xf32, #tpu.memory_space<vmem>> -> memref<1x128x128xf32, #tpu.memory_space<vmem>>
          %dma_start3A_151 = tpu.memref_squeeze %dma_start3A_150 : memref<1x128x128xf32, #tpu.memory_space<vmem>> -> memref<128x128xf32, #tpu.memory_space<vmem>>
          tpu.enqueue_dma source(%dma_start3A_151 : memref<128x128xf32, #tpu.memory_space<vmem>>) target(%dma_start3A_142 : memref<128x128xf32, #tpu.memory_space<hbm>>) target_semaphore(%dma_start3A_140 : memref<!tpu.dma_semaphore, #tpu.memory_space<semaphore_mem>>)
        } else {
        }
      } else {
      }
    }
    %scan3A_7 = arith.constant 54 : i32
    return
  }
}

module attributes {stable_mosaic.version = 14 : i64} {
  func.func @_tc_body(%arg0: i32, %arg1: memref<256x39xf32, #tpu.memory_space<vmem>>, %arg2: memref<6656x128xf32, #tpu.memory_space<vmem>>, %arg3: memref<13x512xf32, #tpu.memory_space<vmem>>, %arg4: memref<1x512xf32, #tpu.memory_space<vmem>>, %arg5: memref<512x256xf32, #tpu.memory_space<vmem>>, %arg6: memref<1x256xf32, #tpu.memory_space<vmem>>, %arg7: memref<256x128xf32, #tpu.memory_space<vmem>>, %arg8: memref<1x128xf32, #tpu.memory_space<vmem>>, %arg9: memref<1024x128xf32, #tpu.memory_space<vmem>>, %arg10: memref<1024x1024xf32, #tpu.memory_space<vmem>>, %arg11: memref<256x256xf32, #tpu.memory_space<vmem>>, %arg12: memref<256x32xf32, #tpu.memory_space<vmem>>, %arg13: memref<1024x1xf32, #tpu.memory_space<vmem>>, %arg14: memref<1024x1024xf32, #tpu.memory_space<vmem>>, %arg15: memref<1024x1xf32, #tpu.memory_space<vmem>>, %arg16: memref<512x1024xf32, #tpu.memory_space<vmem>>, %arg17: memref<512x1xf32, #tpu.memory_space<vmem>>, %arg18: memref<256x512xf32, #tpu.memory_space<vmem>>, %arg19: memref<256x1xf32, #tpu.memory_space<vmem>>, %arg20: memref<1x256xf32, #tpu.memory_space<vmem>>, %arg21: memref<1x1xf32, #tpu.memory_space<vmem>>, %arg22: memref<256x1xf32, #tpu.memory_space<vmem>>) attributes {dimension_semantics = [#tpu.dimension_semantics<arbitrary>], iteration_bounds = array<i64: 64>, scalar_prefetch = 0 : i64, scratch_operands = 0 : i64, tpu.core_type = #tpu.core_type<tc>, window_params = [{transform_indices = @transform_0, window_bounds = array<i64: 256, 39>}, {transform_indices = @transform_1, window_bounds = array<i64: 6656, 128>}, {pipeline_mode = #tpu.pipeline_mode<synchronous>, transform_indices = @transform_2, window_bounds = array<i64: 13, 512>}, {pipeline_mode = #tpu.pipeline_mode<synchronous>, transform_indices = @transform_3, window_bounds = array<i64: 1, 512>}, {pipeline_mode = #tpu.pipeline_mode<synchronous>, transform_indices = @transform_4, window_bounds = array<i64: 512, 256>}, {pipeline_mode = #tpu.pipeline_mode<synchronous>, transform_indices = @transform_5, window_bounds = array<i64: 1, 256>}, {pipeline_mode = #tpu.pipeline_mode<synchronous>, transform_indices = @transform_6, window_bounds = array<i64: 256, 128>}, {pipeline_mode = #tpu.pipeline_mode<synchronous>, transform_indices = @transform_7, window_bounds = array<i64: 1, 128>}, {pipeline_mode = #tpu.pipeline_mode<synchronous>, transform_indices = @transform_8, window_bounds = array<i64: 1024, 128>}, {pipeline_mode = #tpu.pipeline_mode<synchronous>, transform_indices = @transform_9, window_bounds = array<i64: 1024, 1024>}, {pipeline_mode = #tpu.pipeline_mode<synchronous>, transform_indices = @transform_10, window_bounds = array<i64: 256, 256>}, {pipeline_mode = #tpu.pipeline_mode<synchronous>, transform_indices = @transform_11, window_bounds = array<i64: 256, 32>}, {pipeline_mode = #tpu.pipeline_mode<synchronous>, transform_indices = @transform_12, window_bounds = array<i64: 1024, 1>}, {pipeline_mode = #tpu.pipeline_mode<synchronous>, transform_indices = @transform_13, window_bounds = array<i64: 1024, 1024>}, {pipeline_mode = #tpu.pipeline_mode<synchronous>, transform_indices = @transform_14, window_bounds = array<i64: 1024, 1>}, {pipeline_mode = #tpu.pipeline_mode<synchronous>, transform_indices = @transform_15, window_bounds = array<i64: 512, 1024>}, {pipeline_mode = #tpu.pipeline_mode<synchronous>, transform_indices = @transform_16, window_bounds = array<i64: 512, 1>}, {pipeline_mode = #tpu.pipeline_mode<synchronous>, transform_indices = @transform_17, window_bounds = array<i64: 256, 512>}, {pipeline_mode = #tpu.pipeline_mode<synchronous>, transform_indices = @transform_18, window_bounds = array<i64: 256, 1>}, {pipeline_mode = #tpu.pipeline_mode<synchronous>, transform_indices = @transform_19, window_bounds = array<i64: 1, 256>}, {pipeline_mode = #tpu.pipeline_mode<synchronous>, transform_indices = @transform_20, window_bounds = array<i64: 1, 1>}, {transform_indices = @transform_21, window_bounds = array<i64: 256, 1>}]} {
    %get3A = arith.constant 0 : index
    %get3A_0 = arith.constant 0 : index
    %get3A_1 = vector.load %arg1[%get3A, %get3A_0] : memref<256x39xf32, #tpu.memory_space<vmem>>, vector<256x13xf32>
    %get3A_2 = arith.constant 0 : index
    %get3A_3 = arith.constant 0 : index
    %get3A_4 = vector.load %arg3[%get3A_2, %get3A_3] : memref<13x512xf32, #tpu.memory_space<vmem>>, vector<13x512xf32>
    %dot_general3A = arith.constant dense<0.000000e+00> : vector<256x512xf32>
    %dot_general3A_5 = tpu.matmul %get3A_1, %get3A_4, %dot_general3A {dimension_numbers = #tpu.dot_dimension_numbers<[1], [0], [0], [1], [0, 0, 1, 1], [], []>, transpose_lhs_hint = false} : vector<256x13xf32>, vector<13x512xf32>, vector<256x512xf32> -> vector<256x512xf32>
    %get3A_6 = arith.constant 0 : index
    %get3A_7 = arith.constant 0 : index
    %get3A_8 = vector.load %arg4[%get3A_6, %get3A_7] : memref<1x512xf32, #tpu.memory_space<vmem>>, vector<1x512xf32>
    %add3A = vector.broadcast %get3A_8 : vector<1x512xf32> to vector<256x512xf32>
    %add3A_9 = arith.addf %dot_general3A_5, %add3A : vector<256x512xf32>
    %max3A = arith.constant 0.000000e+00 : f32
    %max3A_10 = vector.broadcast %max3A : f32 to vector<256x512xf32>
    %max3A_11 = arith.maximumf %add3A_9, %max3A_10 : vector<256x512xf32>
    %get3A_12 = arith.constant 0 : index
    %get3A_13 = arith.constant 0 : index
    %get3A_14 = vector.load %arg5[%get3A_12, %get3A_13] : memref<512x256xf32, #tpu.memory_space<vmem>>, vector<512x256xf32>
    %dot_general3A_15 = arith.constant dense<0.000000e+00> : vector<256x256xf32>
    %dot_general3A_16 = tpu.matmul %max3A_11, %get3A_14, %dot_general3A_15 {dimension_numbers = #tpu.dot_dimension_numbers<[1], [0], [0], [1], [0, 0, 1, 1], [], []>, transpose_lhs_hint = false} : vector<256x512xf32>, vector<512x256xf32>, vector<256x256xf32> -> vector<256x256xf32>
    %get3A_17 = arith.constant 0 : index
    %get3A_18 = arith.constant 0 : index
    %get3A_19 = vector.load %arg6[%get3A_17, %get3A_18] : memref<1x256xf32, #tpu.memory_space<vmem>>, vector<1x256xf32>
    %add3A_20 = vector.broadcast %get3A_19 : vector<1x256xf32> to vector<256x256xf32>
    %add3A_21 = arith.addf %dot_general3A_16, %add3A_20 : vector<256x256xf32>
    %max3A_22 = arith.constant 0.000000e+00 : f32
    %max3A_23 = vector.broadcast %max3A_22 : f32 to vector<256x256xf32>
    %max3A_24 = arith.maximumf %add3A_21, %max3A_23 : vector<256x256xf32>
    %get3A_25 = arith.constant 0 : index
    %get3A_26 = arith.constant 0 : index
    %get3A_27 = vector.load %arg7[%get3A_25, %get3A_26] : memref<256x128xf32, #tpu.memory_space<vmem>>, vector<256x128xf32>
    %dot_general3A_28 = arith.constant dense<0.000000e+00> : vector<256x128xf32>
    %dot_general3A_29 = tpu.matmul %max3A_24, %get3A_27, %dot_general3A_28 {dimension_numbers = #tpu.dot_dimension_numbers<[1], [0], [0], [1], [0, 0, 1, 1], [], []>, transpose_lhs_hint = false} : vector<256x256xf32>, vector<256x128xf32>, vector<256x128xf32> -> vector<256x128xf32>
    %get3A_30 = arith.constant 0 : index
    %get3A_31 = arith.constant 0 : index
    %get3A_32 = vector.load %arg8[%get3A_30, %get3A_31] : memref<1x128xf32, #tpu.memory_space<vmem>>, vector<1x128xf32>
    %add3A_33 = vector.broadcast %get3A_32 : vector<1x128xf32> to vector<256x128xf32>
    %add3A_34 = arith.addf %dot_general3A_29, %add3A_33 : vector<256x128xf32>
    %max3A_35 = arith.constant 0.000000e+00 : f32
    %max3A_36 = vector.broadcast %max3A_35 : f32 to vector<256x128xf32>
    %max3A_37 = arith.maximumf %add3A_34, %max3A_36 : vector<256x128xf32>
    %get3A_38 = arith.constant 0 : index
    %get3A_39 = arith.constant 0 : index
    %get3A_40 = vector.load %arg2[%get3A_38, %get3A_39] : memref<6656x128xf32, #tpu.memory_space<vmem>>, vector<6656x128xf32>
    %reshape3A = vector.shape_cast %get3A_40 : vector<6656x128xf32> to vector<256x26x128xf32>
    %broadcast_in_dim3A = vector.shape_cast %max3A_37 : vector<256x128xf32> to vector<256x1x128xf32>
    %broadcast_in_dim3A_41 = arith.constant 0.000000e+00 : f32
    %broadcast_in_dim3A_42 = vector.broadcast %broadcast_in_dim3A_41 : f32 to vector<256x5x128xf32>
    %concatenate3A = tpu.concatenate %broadcast_in_dim3A, %reshape3A, %broadcast_in_dim3A_42 in 1 : vector<256x1x128xf32>, vector<256x26x128xf32>, vector<256x5x128xf32> -> vector<256x32x128xf32>
    %reshape3A_43 = vector.shape_cast %concatenate3A : vector<256x32x128xf32> to vector<32x256x128xf32>
    %dot_general3A_44 = arith.constant dense<0.000000e+00> : vector<32x256x256xf32>
    %dot_general3A_45 = tpu.matmul %reshape3A_43, %reshape3A_43, %dot_general3A_44 {dimension_numbers = #tpu.dot_dimension_numbers<[2], [2], [1], [1], [0, 0, 0, 1, 1, 1], [0], [0]>, transpose_lhs_hint = false} : vector<32x256x128xf32>, vector<32x256x128xf32>, vector<32x256x256xf32> -> vector<32x256x256xf32>
    %get3A_46 = arith.constant 0 : index
    %get3A_47 = arith.constant 0 : index
    %get3A_48 = vector.load %arg11[%get3A_46, %get3A_47] : memref<256x256xf32, #tpu.memory_space<vmem>>, vector<256x256xf32>
    %broadcast_in_dim3A_49 = vector.shape_cast %get3A_48 : vector<256x256xf32> to vector<1x256x256xf32>
    %mul3A = vector.broadcast %broadcast_in_dim3A_49 : vector<1x256x256xf32> to vector<32x256x256xf32>
    %mul3A_50 = arith.mulf %dot_general3A_45, %mul3A : vector<32x256x256xf32>
    %reshape3A_51 = vector.shape_cast %mul3A_50 : vector<32x256x256xf32> to vector<8192x256xf32>
    %get3A_52 = arith.constant 0 : index
    %get3A_53 = arith.constant 0 : index
    %get3A_54 = vector.load %arg12[%get3A_52, %get3A_53] : memref<256x32xf32, #tpu.memory_space<vmem>>, vector<256x32xf32>
    %dot_general3A_55 = arith.constant dense<0.000000e+00> : vector<8192x32xf32>
    %dot_general3A_56 = tpu.matmul %reshape3A_51, %get3A_54, %dot_general3A_55 {dimension_numbers = #tpu.dot_dimension_numbers<[1], [0], [0], [1], [0, 0, 1, 1], [], []>, transpose_lhs_hint = false} : vector<8192x256xf32>, vector<256x32xf32>, vector<8192x32xf32> -> vector<8192x32xf32>
    %reshape3A_57 = vector.shape_cast %dot_general3A_56 : vector<8192x32xf32> to vector<256x32x32xf32>
    %transpose3A = tpu.transpose %reshape3A_57, [1, 2, 0] : vector<256x32x32xf32> -> vector<32x32x256xf32>
    %reshape3A_58 = vector.shape_cast %transpose3A : vector<32x32x256xf32> to vector<1024x256xf32>
    %transpose3A_59 = tpu.transpose %max3A_37, [1, 0] : vector<256x128xf32> -> vector<128x256xf32>
    %get3A_60 = arith.constant 0 : index
    %get3A_61 = arith.constant 0 : index
    %get3A_62 = vector.load %arg9[%get3A_60, %get3A_61] : memref<1024x128xf32, #tpu.memory_space<vmem>>, vector<1024x128xf32>
    %dot_general3A_63 = arith.constant dense<0.000000e+00> : vector<1024x256xf32>
    %dot_general3A_64 = tpu.matmul %get3A_62, %transpose3A_59, %dot_general3A_63 {dimension_numbers = #tpu.dot_dimension_numbers<[1], [0], [0], [1], [0, 0, 1, 1], [], []>, transpose_lhs_hint = false} : vector<1024x128xf32>, vector<128x256xf32>, vector<1024x256xf32> -> vector<1024x256xf32>
    %get3A_65 = arith.constant 0 : index
    %get3A_66 = arith.constant 0 : index
    %get3A_67 = vector.load %arg10[%get3A_65, %get3A_66] : memref<1024x1024xf32, #tpu.memory_space<vmem>>, vector<1024x1024xf32>
    %dot_general3A_68 = arith.constant dense<0.000000e+00> : vector<1024x256xf32>
    %dot_general3A_69 = tpu.matmul %get3A_67, %reshape3A_58, %dot_general3A_68 {dimension_numbers = #tpu.dot_dimension_numbers<[1], [0], [0], [1], [0, 0, 1, 1], [], []>, transpose_lhs_hint = false} : vector<1024x1024xf32>, vector<1024x256xf32>, vector<1024x256xf32> -> vector<1024x256xf32>
    %add3A_70 = arith.addf %dot_general3A_64, %dot_general3A_69 : vector<1024x256xf32>
    %get3A_71 = arith.constant 0 : index
    %get3A_72 = arith.constant 0 : index
    %get3A_73 = vector.load %arg13[%get3A_71, %get3A_72] : memref<1024x1xf32, #tpu.memory_space<vmem>>, vector<1024x1xf32>
    %add3A_74 = vector.broadcast %get3A_73 : vector<1024x1xf32> to vector<1024x256xf32>
    %add3A_75 = arith.addf %add3A_70, %add3A_74 : vector<1024x256xf32>
    %max3A_76 = arith.constant 0.000000e+00 : f32
    %max3A_77 = vector.broadcast %max3A_76 : f32 to vector<1024x256xf32>
    %max3A_78 = arith.maximumf %add3A_75, %max3A_77 : vector<1024x256xf32>
    %get3A_79 = arith.constant 0 : index
    %get3A_80 = arith.constant 0 : index
    %get3A_81 = vector.load %arg14[%get3A_79, %get3A_80] : memref<1024x1024xf32, #tpu.memory_space<vmem>>, vector<1024x1024xf32>
    %dot_general3A_82 = arith.constant dense<0.000000e+00> : vector<1024x256xf32>
    %dot_general3A_83 = tpu.matmul %get3A_81, %max3A_78, %dot_general3A_82 {dimension_numbers = #tpu.dot_dimension_numbers<[1], [0], [0], [1], [0, 0, 1, 1], [], []>, transpose_lhs_hint = false} : vector<1024x1024xf32>, vector<1024x256xf32>, vector<1024x256xf32> -> vector<1024x256xf32>
    %get3A_84 = arith.constant 0 : index
    %get3A_85 = arith.constant 0 : index
    %get3A_86 = vector.load %arg15[%get3A_84, %get3A_85] : memref<1024x1xf32, #tpu.memory_space<vmem>>, vector<1024x1xf32>
    %add3A_87 = vector.broadcast %get3A_86 : vector<1024x1xf32> to vector<1024x256xf32>
    %add3A_88 = arith.addf %dot_general3A_83, %add3A_87 : vector<1024x256xf32>
    %max3A_89 = arith.constant 0.000000e+00 : f32
    %max3A_90 = vector.broadcast %max3A_89 : f32 to vector<1024x256xf32>
    %max3A_91 = arith.maximumf %add3A_88, %max3A_90 : vector<1024x256xf32>
    %get3A_92 = arith.constant 0 : index
    %get3A_93 = arith.constant 0 : index
    %get3A_94 = vector.load %arg16[%get3A_92, %get3A_93] : memref<512x1024xf32, #tpu.memory_space<vmem>>, vector<512x1024xf32>
    %dot_general3A_95 = arith.constant dense<0.000000e+00> : vector<512x256xf32>
    %dot_general3A_96 = tpu.matmul %get3A_94, %max3A_91, %dot_general3A_95 {dimension_numbers = #tpu.dot_dimension_numbers<[1], [0], [0], [1], [0, 0, 1, 1], [], []>, transpose_lhs_hint = false} : vector<512x1024xf32>, vector<1024x256xf32>, vector<512x256xf32> -> vector<512x256xf32>
    %get3A_97 = arith.constant 0 : index
    %get3A_98 = arith.constant 0 : index
    %get3A_99 = vector.load %arg17[%get3A_97, %get3A_98] : memref<512x1xf32, #tpu.memory_space<vmem>>, vector<512x1xf32>
    %add3A_100 = vector.broadcast %get3A_99 : vector<512x1xf32> to vector<512x256xf32>
    %add3A_101 = arith.addf %dot_general3A_96, %add3A_100 : vector<512x256xf32>
    %max3A_102 = arith.constant 0.000000e+00 : f32
    %max3A_103 = vector.broadcast %max3A_102 : f32 to vector<512x256xf32>
    %max3A_104 = arith.maximumf %add3A_101, %max3A_103 : vector<512x256xf32>
    %get3A_105 = arith.constant 0 : index
    %get3A_106 = arith.constant 0 : index
    %get3A_107 = vector.load %arg18[%get3A_105, %get3A_106] : memref<256x512xf32, #tpu.memory_space<vmem>>, vector<256x512xf32>
    %dot_general3A_108 = arith.constant dense<0.000000e+00> : vector<256x256xf32>
    %dot_general3A_109 = tpu.matmul %get3A_107, %max3A_104, %dot_general3A_108 {dimension_numbers = #tpu.dot_dimension_numbers<[1], [0], [0], [1], [0, 0, 1, 1], [], []>, transpose_lhs_hint = false} : vector<256x512xf32>, vector<512x256xf32>, vector<256x256xf32> -> vector<256x256xf32>
    %get3A_110 = arith.constant 0 : index
    %get3A_111 = arith.constant 0 : index
    %get3A_112 = vector.load %arg19[%get3A_110, %get3A_111] : memref<256x1xf32, #tpu.memory_space<vmem>>, vector<256x1xf32>
    %add3A_113 = vector.broadcast %get3A_112 : vector<256x1xf32> to vector<256x256xf32>
    %add3A_114 = arith.addf %dot_general3A_109, %add3A_113 : vector<256x256xf32>
    %max3A_115 = arith.constant 0.000000e+00 : f32
    %max3A_116 = vector.broadcast %max3A_115 : f32 to vector<256x256xf32>
    %max3A_117 = arith.maximumf %add3A_114, %max3A_116 : vector<256x256xf32>
    %get3A_118 = arith.constant 0 : index
    %get3A_119 = arith.constant 0 : index
    %get3A_120 = vector.load %arg20[%get3A_118, %get3A_119] : memref<1x256xf32, #tpu.memory_space<vmem>>, vector<1x256xf32>
    %dot_general3A_121 = arith.constant dense<0.000000e+00> : vector<1x256xf32>
    %dot_general3A_122 = tpu.matmul %get3A_120, %max3A_117, %dot_general3A_121 {dimension_numbers = #tpu.dot_dimension_numbers<[1], [0], [0], [1], [0, 0, 1, 1], [], []>, transpose_lhs_hint = false} : vector<1x256xf32>, vector<256x256xf32>, vector<1x256xf32> -> vector<1x256xf32>
    %get3A_123 = arith.constant 0 : index
    %get3A_124 = arith.constant 0 : index
    %get3A_125 = vector.load %arg21[%get3A_123, %get3A_124] : memref<1x1xf32, #tpu.memory_space<vmem>>, vector<1x1xf32>
    %add3A_126 = vector.broadcast %get3A_125 : vector<1x1xf32> to vector<1x256xf32>
    %add3A_127 = arith.addf %dot_general3A_122, %add3A_126 : vector<1x256xf32>
    %transpose3A_128 = tpu.transpose %add3A_127, [1, 0] : vector<1x256xf32> -> vector<256x1xf32>
    %swap3A = arith.constant 0 : index
    %swap3A_129 = arith.constant 0 : index
    %swap3A_130 = vector.load %arg22[%swap3A, %swap3A_129] : memref<256x1xf32, #tpu.memory_space<vmem>>, vector<256x1xf32>
    tpu.vector_store %arg22[%swap3A, %swap3A_129], %transpose3A_128 {strides = array<i32>} : memref<256x1xf32, #tpu.memory_space<vmem>>, vector<256x1xf32>,
    return
  }
  func.func @transform_0(%arg0: i32) -> (i32, i32) {
    %c0_i32 = arith.constant 0 : i32
    %c0_i32_0 = arith.constant 0 : i32
    return %arg0, %c0_i32 : i32, i32
  }
  func.func @transform_1(%arg0: i32) -> (i32, i32) {
    %c0_i32 = arith.constant 0 : i32
    %c0_i32_0 = arith.constant 0 : i32
    return %arg0, %c0_i32 : i32, i32
  }
  func.func @transform_2(%arg0: i32) -> (i32, i32) {
    %c0_i32 = arith.constant 0 : i32
    %c0_i32_0 = arith.constant 0 : i32
    %c0_i32_1 = arith.constant 0 : i32
    return %c0_i32, %c0_i32_0 : i32, i32
  }
  func.func @transform_3(%arg0: i32) -> (i32, i32) {
    %c0_i32 = arith.constant 0 : i32
    %c0_i32_0 = arith.constant 0 : i32
    %c0_i32_1 = arith.constant 0 : i32
    return %c0_i32, %c0_i32_0 : i32, i32
  }
  func.func @transform_4(%arg0: i32) -> (i32, i32) {
    %c0_i32 = arith.constant 0 : i32
    %c0_i32_0 = arith.constant 0 : i32
    %c0_i32_1 = arith.constant 0 : i32
    return %c0_i32, %c0_i32_0 : i32, i32
  }
  func.func @transform_5(%arg0: i32) -> (i32, i32) {
    %c0_i32 = arith.constant 0 : i32
    %c0_i32_0 = arith.constant 0 : i32
    %c0_i32_1 = arith.constant 0 : i32
    return %c0_i32, %c0_i32_0 : i32, i32
  }
  func.func @transform_6(%arg0: i32) -> (i32, i32) {
    %c0_i32 = arith.constant 0 : i32
    %c0_i32_0 = arith.constant 0 : i32
    %c0_i32_1 = arith.constant 0 : i32
    return %c0_i32, %c0_i32_0 : i32, i32
  }
  func.func @transform_7(%arg0: i32) -> (i32, i32) {
    %c0_i32 = arith.constant 0 : i32
    %c0_i32_0 = arith.constant 0 : i32
    %c0_i32_1 = arith.constant 0 : i32
    return %c0_i32, %c0_i32_0 : i32, i32
  }
  func.func @transform_8(%arg0: i32) -> (i32, i32) {
    %c0_i32 = arith.constant 0 : i32
    %c0_i32_0 = arith.constant 0 : i32
    %c0_i32_1 = arith.constant 0 : i32
    return %c0_i32, %c0_i32_0 : i32, i32
  }
  func.func @transform_9(%arg0: i32) -> (i32, i32) {
    %c0_i32 = arith.constant 0 : i32
    %c0_i32_0 = arith.constant 0 : i32
    %c0_i32_1 = arith.constant 0 : i32
    return %c0_i32, %c0_i32_0 : i32, i32
  }
  func.func @transform_10(%arg0: i32) -> (i32, i32) {
    %c0_i32 = arith.constant 0 : i32
    %c0_i32_0 = arith.constant 0 : i32
    %c0_i32_1 = arith.constant 0 : i32
    return %c0_i32, %c0_i32_0 : i32, i32
  }
  func.func @transform_11(%arg0: i32) -> (i32, i32) {
    %c0_i32 = arith.constant 0 : i32
    %c0_i32_0 = arith.constant 0 : i32
    %c0_i32_1 = arith.constant 0 : i32
    return %c0_i32, %c0_i32_0 : i32, i32
  }
  func.func @transform_12(%arg0: i32) -> (i32, i32) {
    %c0_i32 = arith.constant 0 : i32
    %c0_i32_0 = arith.constant 0 : i32
    %c0_i32_1 = arith.constant 0 : i32
    return %c0_i32, %c0_i32_0 : i32, i32
  }
  func.func @transform_13(%arg0: i32) -> (i32, i32) {
    %c0_i32 = arith.constant 0 : i32
    %c0_i32_0 = arith.constant 0 : i32
    %c0_i32_1 = arith.constant 0 : i32
    return %c0_i32, %c0_i32_0 : i32, i32
  }
  func.func @transform_14(%arg0: i32) -> (i32, i32) {
    %c0_i32 = arith.constant 0 : i32
    %c0_i32_0 = arith.constant 0 : i32
    %c0_i32_1 = arith.constant 0 : i32
    return %c0_i32, %c0_i32_0 : i32, i32
  }
  func.func @transform_15(%arg0: i32) -> (i32, i32) {
    %c0_i32 = arith.constant 0 : i32
    %c0_i32_0 = arith.constant 0 : i32
    %c0_i32_1 = arith.constant 0 : i32
    return %c0_i32, %c0_i32_0 : i32, i32
  }
  func.func @transform_16(%arg0: i32) -> (i32, i32) {
    %c0_i32 = arith.constant 0 : i32
    %c0_i32_0 = arith.constant 0 : i32
    %c0_i32_1 = arith.constant 0 : i32
    return %c0_i32, %c0_i32_0 : i32, i32
  }
  func.func @transform_17(%arg0: i32) -> (i32, i32) {
    %c0_i32 = arith.constant 0 : i32
    %c0_i32_0 = arith.constant 0 : i32
    %c0_i32_1 = arith.constant 0 : i32
    return %c0_i32, %c0_i32_0 : i32, i32
  }
  func.func @transform_18(%arg0: i32) -> (i32, i32) {
    %c0_i32 = arith.constant 0 : i32
    %c0_i32_0 = arith.constant 0 : i32
    %c0_i32_1 = arith.constant 0 : i32
    return %c0_i32, %c0_i32_0 : i32, i32
  }
  func.func @transform_19(%arg0: i32) -> (i32, i32) {
    %c0_i32 = arith.constant 0 : i32
    %c0_i32_0 = arith.constant 0 : i32
    %c0_i32_1 = arith.constant 0 : i32
    return %c0_i32, %c0_i32_0 : i32, i32
  }
  func.func @transform_20(%arg0: i32) -> (i32, i32) {
    %c0_i32 = arith.constant 0 : i32
    %c0_i32_0 = arith.constant 0 : i32
    %c0_i32_1 = arith.constant 0 : i32
    return %c0_i32, %c0_i32_0 : i32, i32
  }
  func.func @transform_21(%arg0: i32) -> (i32, i32) {
    %c0_i32 = arith.constant 0 : i32
    %c0_i32_0 = arith.constant 0 : i32
    return %arg0, %c0_i32 : i32, i32
  }
}

</mosaic_0001>

<sc_bundles>
// kernel: kernel.4.cloned.1.call-start
scs
__scs_entry_jumppad:
0x0: {  	(pc) =	sbr.rel $0x88, $3  }
0x1: {  	(tag) =	ssettag $0x0;
	lr =	simm.s32 $0x1  }
0x2: {  	[smem:$0x3F8F] =	sst lr;
	_ =	strace $0xD0000000  }
0x3: {  	_ = 	snop  }
0x4: {  	_ = 	snop  }
0x5: {  	_ = 	snop  }
0x6: {  	_ = 	snop  }
0x7: {  	_ = 	snop  }
__scs_overlays_trampoline_lowered:
0x8: {  	[smem:$0x3F9E] =	sst s0  }
0x9: {  	[smem:$0x3F9F] =	sst s1  }
0xa: {  	[smem:$0x3FA0] =	sst s2  }
0xb: {  	[smem:$0x3FA1] =	sst s3  }
0xc: {  	[smem:$0x3FA2] =	sst s4  }
0xd: {  	[smem:$0x3FA3] =	sst s5  }
0xe: {  	[smem:$0x3FA4] =	sst s6  }
0xf: {  	[smem:$0x3FA5] =	sst s7  }
0x10: {  	[smem:$0x3FA6] =	sst s8  }
0x11: {  	[smem:$0x3FA7] =	sst s9;
	s0 =	simm.s32 @!p0 $0x0  }
0x12: {  	s1 =	sld [smem:$0x3F8D];
	s0 =	simm.s32 @p0 $0x1  }
0x13: {  	[smem:$0x3FA8] =	sst s0;
	s0 =	simm.s32 @!p1 $0x0  }
0x14: {  	s2 =	sld [smem:$0x3F8C];
	s0 =	simm.s32 @p1 $0x1  }
0x15: {  	[smem:$0x3FA9] =	sst s0;
	s0 =	simm.s32 @!p2 $0x0  }
0x16: {  	s3 =	sld [smem:$0x3FDB];
	s0 =	simm.s32 @p2 $0x1  }
0x17: {  	s4 =	simm.s32 $0x1BF5;
	[smem:$0x3FAB] =	sst s0  }
0x18: {  	s0 =	sld [smem:$0x3F8E];
	_ =	swait.ge [sflag:s4], $0x0  }
0x19: {  	s7 =	sld [smem:$0x3F8F]  }
0x1a: {  	s8 =	sadd.s32 $0xFFFFE003, lr  }
0x1b: {  	s9 =	sadd.s32 $0xFFFFFEF7, lr;
	s5 =	simm.s32 $0xFFFFFFFF;
	p2 =	slt.u32 s8, $0xFFFFF086  }
0x1c: {  	p1 =	slt.u32 s9, $0xF7A;
	s5 =	simm.s32 @!p2 $0x0  }
0x1d: {  	s5 =	simm.s32 @p1 $0x1;
	p0 =	seq.s32 s7, s2  }
0x1e: {  	s7 =	smul.u32 @!p0 $0xF7A, s2;
	p2 =	seq.s32 @!p0 s5, $0x0  }
0x1f: {  	s9 =	smul.u32 $0xF7A, s1;
	s8 =	simm.s32 @!p0 $0x1BF5;
	p2 =	por !p2, p0  }
0x20: {  	[sflag:s8] =	ssyncset.s32 @!p0 $0xFFFFF086;
	s6 =	sadd.s32 @!p0 s3, s7;
	s7 =	simm.s32 @!p0 $0x108  }
0x21: {  	s3 =	sadd.s32 s3, s9;
	s6 =	sadd.s32 @!p0 $0x88, s6;
	s7 =	simm.s32 @p2 $0x1082  }
0x22: {  	[simem:s7], [sflag:s8] =	dma.local @!p0 [hbm:s6], $0xF7A  }
0x23: {  	s9 =	sor.u32 $0xD0000000, s2;
	s6 =	simm.s32 $0x108;
	_ =	swait.ge @!p0 [sflag:s8], $0x0  }
0x24: {  	s3 =	sadd.s32 $0x88, s3;
	s6 =	simm.s32 @!p1 $0x1082;
	[sflag:s4] =	ssyncset.s32 $0xFFFFF086  }
0x25: {  	[simem:s6], [sflag:s4] =	dma.local [hbm:s3], $0xF7A  }
0x26: {  	[smem:$0x3F8F] =	sst s1;
	(tag) =	ssettag s2;
	_ =	strace s9  }
0x27: {  	s1 =	sld [smem:$0x3F9F]  }
0x28: {  	s2 =	sld [smem:$0x3FA0]  }
0x29: {  	s4 =	sld [smem:$0x3FA2]  }
0x2a: {  	p0 =	seq.s32 s5, $0x0;
	s5 =	sld [smem:$0x3FA3]  }
0x2b: {  	s6 =	sld [smem:$0x3FA4]  }
0x2c: {  	s7 =	sld [smem:$0x3FA5]  }
0x2d: {  	s3 =	simm.s32 $0x108;
	s8 =	sld [smem:$0x3FA6]  }
0x2e: {  	s3 =	simm.s32 @!p0 $0x1082;
	s9 =	sld [smem:$0x3FA7]  }
0x2f: {  	lr =	sadd.s32 s0, s3;
	s0 =	sld [smem:$0x3F9E]  }
0x30: {  	s3 =	sld [smem:$0x3FA1]  }
0x31: {  	[smem:$0x3FAA] =	sst s10  }
0x32: {  	s10 =	sld [smem:$0x3FA8];
	_ =	sdelay $0x3  }
0x33: {  	p0 =	seq.s32 s10, $0x1;
	s10 =	sld [smem:$0x3FAA];
	_ =	sdelay $0x3  }
0x34: {  	[smem:$0x3FAA] =	sst s10  }
0x35: {  	s10 =	sld [smem:$0x3FA9];
	_ =	sdelay $0x3  }
0x36: {  	p1 =	seq.s32 s10, $0x1;
	s10 =	sld [smem:$0x3FAA];
	_ =	sdelay $0x3  }
0x37: {  	[smem:$0x3FAA] =	sst s10  }
0x38: {  	s10 =	sld [smem:$0x3FAB]  }
0x39: {  	_ = 	snop;
	(pc) =	sbr.ind lr, $3  }
0x3a: {  	_ = 	snop  }
0x3b: {  	_ = 	snop  }
0x3c: {  	p2 =	seq.s32 s10, $0x1;
	s10 =	sld [smem:$0x3FAA]  }
0x3d: {  	_ =	shalt  }
0x3e: {  	_ =	shalt  }
0x3f: {  	_ =	shalt  }
0x40: {  	_ =	shalt  }
0x41: {  	_ =	shalt  }
0x42: {  	_ =	shalt  }
0x43: {  	_ =	shalt  }
0x44: {  	_ =	shalt  }
0x45: {  	_ =	shalt  }
0x46: {  	_ =	shalt  }
0x47: {  	_ =	shalt  }
0x48: {  	_ =	shalt  }
0x49: {  	_ =	shalt  }
0x4a: {  	_ =	shalt  }
0x4b: {  	_ =	shalt  }
0x4c: {  	_ =	shalt  }
0x4d: {  	_ =	shalt  }
0x4e: {  	_ =	shalt  }
0x4f: {  	_ =	shalt  }
0x50: {  	_ =	shalt  }
0x51: {  	_ =	shalt  }
0x52: {  	_ =	shalt  }
0x53: {  	_ =	shalt  }
0x54: {  	_ =	shalt  }
0x55: {  	_ =	shalt  }
0x56: {  	_ =	shalt  }
0x57: {  	_ =	shalt  }
0x58: {  	_ =	shalt  }
0x59: {  	_ =	shalt  }
0x5a: {  	_ =	shalt  }
0x5b: {  	_ =	shalt  }
0x5c: {  	_ =	shalt  }
0x5d: {  	_ =	shalt  }
0x5e: {  	_ =	shalt  }
0x5f: {  	_ =	shalt  }
0x60: {  	_ =	shalt  }
0x61: {  	_ =	shalt  }
0x62: {  	_ =	shalt  }
0x63: {  	_ =	shalt  }
0x64: {  	_ =	shalt  }
0x65: {  	_ =	shalt  }
0x66: {  	_ =	shalt  }
0x67: {  	_ =	shalt  }
0x68: {  	_ =	shalt  }
0x69: {  	_ =	shalt  }
0x6a: {  	_ =	shalt  }
0x6b: {  	_ =	shalt  }
0x6c: {  	_ =	shalt  }
0x6d: {  	_ =	shalt  }
0x6e: {  	_ =	shalt  }
0x6f: {  	_ =	shalt  }
0x70: {  	_ =	shalt  }
0x71: {  	_ =	shalt  }
0x72: {  	_ =	shalt  }
0x73: {  	_ =	shalt  }
0x74: {  	_ =	shalt  }
0x75: {  	_ =	shalt  }
0x76: {  	_ =	shalt  }
0x77: {  	_ =	shalt  }
0x78: {  	_ =	shalt  }
0x79: {  	_ =	shalt  }
0x7a: {  	_ =	shalt  }
0x7b: {  	_ =	shalt  }
0x7c: {  	_ =	shalt  }
0x7d: {  	_ =	shalt  }
0x7e: {  	_ =	shalt  }
0x7f: {  	_ =	shalt  }
0x80: {  	_ =	shalt  }
0x81: {  	_ =	shalt  }
0x82: {  	_ =	shalt  }
0x83: {  	_ =	shalt  }
0x84: {  	_ =	shalt  }
0x85: {  	_ =	shalt  }
0x86: {  	_ =	shalt  }
0x87: {  	_ =	shalt  }
.Lfunc_end0:
.L_simem_size_0:
called_computation_lowered:
.L_overlay_start_0:
0x88: {  	s2 =	sld [smem:$0x3FD9]  }
0x89: {  	s3 =	sld [smem:$0x3FFE];
	_ =	sdelay $0x1  }
0x8a: {  	s1 =	srdreg.scid  }
0x8b: {  	s0 =	sand.u32 $0x1, s1  }
0x8c: {  	s17 =	sshll.u32 s0, $0xA;
	s2 =	sadd.s32 s3, s2  }
0x8d: {  	s2 =	sadd.s32 s2, s17  }
0x8e: {  	[smem:$0x3FB6] =	sst s2  }
0x8f: {  	_ = 	snop  }
0x90: {  	s2 =	sld [smem:$0x3FC8];
	(tm) =	ssettm $0x1  }
0x91: {  	s18 =	sld [smem:$0x3FFB];
	_ =	sdelay $0x3  }
0x92: {  	_ =	strace s18  }
0x93: {  	s3 =	sld [smem:$0x3FFC];
	_ =	sdelay $0x3  }
0x94: {  	_ =	strace s3  }
0x95: {  	s3 =	sld [smem:$0x3FFD];
	_ =	sdelay $0x3  }
0x96: {  	_ =	strace s3  }
0x97: {  	_ =	strace $0x8FFFFFFF  }
0x98: {  	s19 =	sld [smem:$0x3FDB];
	_ =	sdelay $0x1  }
0x99: {  	s4 =	simm.s32 $_scs_section_size  }
0x9a: {  	s5 =	simm.s32 $_size__tile_overlayer_lowered;
	s6 =	simm.s32 $_tile_overlayer_lowered  }
0x9b: {  	s22 =	simm.s32 $0x1BFF;
	s21 =	sshll.u32 s6, $0x1;
	s3 =	sadd.s32 s4, s19  }
0x9c: {  	s7 =	simm.s32 $0x0;
	s20 =	sshll.u32 s5, $0x1;
	s5 =	sadd.s32 s21, s3  }
0x9d: {  	[timem:s7], [sflag:s22] =	dma.local [hbm:s5], s20  }
0x9e: {  	_ =	swait.ge [sflag:s22], s20  }
0x9f: {  	s4 =	ssub.s32 $0x0, s20;
	[sflag:s22] =	ssyncset.done $0x0  }
0xa0: {  	[sflag:s22] =	ssyncadd.s32 s4;
	_ =	sdelay $0x1  }
0xa1: {  	s23 =	simm.s32 $0x1B8B  }
0xa2: {  	_ =	swait.ge [sflag:s23], $0x1  }
0xa3: {  	[sflag:s23] =	ssyncset.done $0x0  }
0xa4: {  	s25 =	simm.s32 $0x1B8E;
	s24 =	sld [smem:$0x3FFE];
	[sflag:s23] =	ssyncadd.s32 $0xFFFFFFFF  }
0xa5: {  	s26 =	simm.s32 $execute0_lowered;
	[smem:$0x3FD2] =	sst s25  }
0xa6: {  	s5 =	sshll.u32 s26, $0x1;
	_ =	strace $0x80000046;
	[dreg:$0x1] =	wrdreg $0xFFFFFFFF  }
0xa7: {  	s28 =	simm.s32 $_size_execute0_lowered;
	s3 =	sadd.s32 s3, s5;
	[dreg:$0x0] =	wrdreg $0x0  }
0xa8: {  	s5 =	sshll.u32 s28, $0x1;
	[dreg:$0x2] =	wrdreg s3  }
0xa9: {  	[dreg:$0x3] =	wrdreg s5  }
0xaa: {  	[dreg:$0x4] =	wrdreg $0xC0  }
0xab: {  	_ =	task [dreg:s7], $0x5FFFF  }
0xac: {  	[dreg:$0x1] =	wrdreg $0xFFFFFFFF  }
0xad: {  	[dreg:$0x0] =	wrdreg $0x60  }
0xae: {  	[dreg:$0x2] =	wrdreg s2  }
0xaf: {  	[dreg:$0x3] =	wrdreg s24  }
0xb0: {  	[dreg:$0x4] =	wrdreg $0x9  }
0xb1: {  	_ =	task.clear_ibuf [dreg:s7], $0x5FFFF;
	_ =	strace $0x90000046  }
0xb2: {  	s29 =	simm.s32 $0x9;
	_ =	strace $0x80000048  }
0xb3: {  	_ =	swait.ge [sflag:s29], $0x1  }
0xb4: {  	[sflag:s29] =	ssyncadd.s32 $0xFFFFFFFF  }
0xb5: {  	_ =	strace $0x90000048  }
0xb6: {  	_ =	sfence  }
0xb7: {  	s30 =	sld [smem:$0x0];
	_ =	sdelay $0x2  }
0xb8: {  	s31 =	sshll.u32 s1, $0xD;
	s1 =	sshrl.u32 s1, $0x2  }
0xb9: {  	s3 =	sand.u32 $0x4000, s31;
	s1 =	sadd.s32 s1, s30  }
0xba: {  	s0 =	sor.u32 s3, s0;
	s1 =	sshll.u32 s1, $0x11  }
0xbb: {  	s0 =	sor.u32 s1, s0  }
0xbc: {  	s0 =	sadd.s32 $0x8F2B, s0  }
0xbd: {  	[sflag:s0] =	ssyncadd.remote.s32 $0x1  }
0xbe: {  	_ =	sfence.sel $0xFFFF  }
0xbf: {  	[dreg:$0x0] =	wrdreg $0xFFFFFFFF;
	(pc) =	sbr.abs _section_cstart, $3  }
0xc0: {  	[dreg:$0x1] =	wrdreg $0xFFFFFFFF  }
0xc1: {  	_ =	task.clear_ibuf [dreg:s7], $0x2FFFF;
	_ =	strace $0x9FFFFFFF  }
0xc2: {  	(tm) =	ssettm $0x7FFFFFFF  }
0xc3: {  	_ =	shalt  }
tec
execute0_lowered:
.L_overlay_start_1:
0x0: {  	(tag) =	ssettag $0x1  }
0x1: {  	s1 =	srdreg.scid  }
0x2: {  	s0 =	stileid.u32;
	s2 =	rddreg [dreg:$0x0]  }
0x3: {  	s4 =	rddreg [dreg:$0x1];
	s3 =	simm.s32 $0x0;
	s13 =	simm.s32 $0x3400  }
0x4: {  	s14 =	simm.s32 $0x7400;
	s15 =	simm.s32 $0x0;
	s7 =	smul.u32 $0x68000, s0  }
0x5: {  	s5 =	sand.u32 $0x1, s1;
	s1 =	rddreg [dreg:$0x2];
	s10 =	smul.u32 $0x340000, s0  }
0x6: {  	s30 =	sshll.u32 s0, $0x1;
	[smem:$0x7FF] =	sst s3;
	s8 =	smul.u32 $0x34000, s5  }
0x7: {  	s6 =	sor.u32 s5, s30;
	s9 =	ssub.s32 $0x2, s5;
	s12 =	smul.u32 $0x1A0000, s5  }
0x8: {  	_ =	strace $0x80000047;
	s6 =	smul.u32 $0x680, s6;
	s11 =	sshrl.u32 s9, $0x1  }
.Ltmp0:
0x9: {  	s9 =	ssub.s32 s9, s11;
	s31 =	sadd.s32 s12, s10;
	(pc) =	sbr.rel .LBB2_1-.Ltmp0, $4  }
0xa: {  	s10 =	simm.s32 $0x80;
	s6 =	sadd.s32 s6, s4;
	s4 =	sadd.s32 $0xF200, s4  }
0xb: {  	s11 =	simm.s32 $0xB400;
	s12 =	simm.s32 $0xF400;
	s7 =	sadd.s32 s7, s4  }
0xc: {  	s5 =	sadd.s32 $0x2200, s6;
	s6 =	smax.u32 s9, $0x1;
	s7 =	sadd.s32 s8, s7  }
0xd: {  	s9 =	simm.s32 $0x9;
	s8 =	sadd.s32 $0xFFFF8000, s31;
	s7 =	sadd.s32 $0xFFFFF800, s7  }
.LBB2_9:
0xe: {  	s15 =	sadd.s32 $0x1, s15  }
0xf: {  	p0 =	sne.s32 s15, s6  }
.Ltmp1:
0x10: {  	_ = 	snop;
	(pc) =	sbr.rel @!p0 .LBB2_10-.Ltmp1, $1  }
0x11: {  	_ =	sdelay $0x3  }
.LBB2_1:
.Ltmp2:
0x12: {  	(pc) =	sbr.rel .LBB2_2-.Ltmp2, $4  }
0x13: {  	[tilespmem:s3], [sflag:$0x9] =	stream.linear.gather [hbm4b:s5+s3], $0x3400, $0x38;
	[tilespmem:$0x13400] =	vst v63  }
0x14: {  	_ =	swait.ge [sflag:s9], $0x3400  }
0x15: {  	s16 =	smov.u32 s8;
	s17 =	smov.u32 s7;
	[sflag:s9] =	ssyncset.done $0x0  }
0x16: {  	s18 =	simm.s32 $0x80;
	s19 =	simm.s32 $0x0;
	[sflag:s9] =	ssyncadd.s32 $0xFFFFCC00  }
.LBB2_7:
0x17: {  	s20 =	sadd.s32 $0xFFFFFF80, s18  }
0x18: {  	[tilespmem:s13], [sflag:$0x1] =	stream.indirect.gather [hbm4b:s2+s10], $0x80, s20, s10, $0xb8;
	[tilespmem:$0x13400] =	vst v63  }
0x19: {  	_ = 	snop  }
0x1a: {  	[tilespmem:s14], [sflag:$0x2] =	stream.indirect.gather [hbm4b:s2+s10], $0x80, s18, s10, $0xb8;
	[tilespmem:$0x13400] =	vst v63  }
.LBB2_8:
0x1b: {  	p0 =	seq.s32 s19, $0x0  }
0x1c: {  	p1 =	seq.s32 @!p0 s19, $0x35  }
0x1d: {  	p4 =	por p1, p0  }
0x1e: {  	s20 =	sand.u32 @!p4 $0x1, s19  }
0x1f: {  	p2 =	seq.s32 @!p4 s20, $0x0  }
0x20: {  	p3 =	por @!p0 !p2, p1  }
0x21: {  	p3 =	por p3, p0  }
0x22: {  	s20 =	simm.s32 @!p3 $0x3  }
0x23: {  	_ =	swait.ge @!p3 [sflag:s20], $0x4000  }
0x24: {  	[sflag:s20] =	ssyncset.done @!p3 $0x0  }
0x25: {  	[sflag:s20] =	ssyncadd.s32 @!p3 $0xFFFFC000;
	s20 =	simm.s32 @!p3 $0x4  }
0x26: {  	s21 =	sshrl.u32 @!p4 s16, $0x3;
	_ =	swait.ge @!p3 [sflag:s20], $0x4000  }
0x27: {  	s21 =	sadd.s32 @!p4 s4, s21;
	p1 =	por @!p0 p2, p1;
	[sflag:s20] =	ssyncset.done @!p3 $0x0  }
0x28: {  	s22 =	simm.s32 @!p3 $0xB400;
	[sflag:s20] =	ssyncadd.s32 @!p3 $0xFFFFC000;
	s20 =	simm.s32 @!p3 $0x0  }
0x29: {  	[hbm4b:s21+s20] =	stream.linear.scatter @!p3 [tilespmem:s22], [sflag:$0x7], $0x4000, $0x38;
	[tilespmem:$0x13400] =	vst v63  }
0x2a: {  	p0 =	por p1, p0;
	s22 =	simm.s32 @!p3 $0xF400  }
0x2b: {  	[hbm4b:s17+s20] =	stream.linear.scatter @!p3 [tilespmem:s22], [sflag:$0x8], $0x4000, $0x38;
	[tilespmem:$0x13400] =	vst v63  }
0x2c: {  	s20 =	simm.s32 @!p0 $0x1  }
0x2d: {  	_ =	swait.ge @!p0 [sflag:s20], $0x4000  }
0x2e: {  	[sflag:s20] =	ssyncset.done @!p0 $0x0  }
0x2f: {  	[sflag:s20] =	ssyncadd.s32 @!p0 $0xFFFFC000;
	s20 =	simm.s32 @!p0 $0x2  }
0x30: {  	_ =	swait.ge @!p0 [sflag:s20], $0x4000  }
0x31: {  	[sflag:s20] =	ssyncset.done @!p0 $0x0  }
0x32: {  	s22 =	simm.s32 @!p0 $0x3400;
	[sflag:s20] =	ssyncadd.s32 @!p0 $0xFFFFC000;
	s20 =	simm.s32 @!p0 $0x0  }
0x33: {  	[hbm4b:s21+s20] =	stream.linear.scatter @!p0 [tilespmem:s22], [sflag:$0x5], $0x4000, $0x38;
	[tilespmem:$0x13400] =	vst v63  }
0x34: {  	s19 =	sadd.s32 $0x1, s19;
	s21 =	simm.s32 @!p0 $0x7400  }
0x35: {  	[hbm4b:s17+s20] =	stream.linear.scatter @!p0 [tilespmem:s21], [sflag:$0x6], $0x4000, $0x38;
	[tilespmem:$0x13400] =	vst v63  }
0x36: {  	p0 =	sne.s32 s19, $0x36  }
.Ltmp3:
0x37: {  	_ = 	snop;
	(pc) =	sbr.rel @!p0 .LBB2_9-.Ltmp3, $2  }
0x38: {  	_ =	sdelay $0x2  }
0x39: {  	s18 =	sadd.s32 $0x100, s18;
	s16 =	sadd.s32 $0x8000, s16;
	s17 =	sadd.s32 $0x1000, s17  }
.LBB2_2:
0x3a: {  	p1 =	sgt.u32 s19, $0x1  }
.Ltmp4:
0x3b: {  	_ = 	snop;
	(pc) =	sbr.rel @!p1 .LBB2_3-.Ltmp4, $3  }
0x3c: {  	_ =	sdelay $0x1  }
0x3d: {  	s20 =	sand.u32 $0x1, s19  }
0x3e: {  	p0 =	seq.s32 s20, $0x1  }
0x3f: {  	s20 =	simm.s32 $0x7  }
0x40: {  	s20 =	simm.s32 @!p0 $0x5  }
0x41: {  	p1 =	sgt.u32 s19, $0x33;
	_ =	swait.ge [sflag:s20], $0x4000  }
.Ltmp5:
0x42: {  	s21 =	simm.s32 $0x8;
	[sflag:s20] =	ssyncset.done $0x0;
	(pc) =	sbr.rel @p1 .LBB2_8-.Ltmp5, $4  }
0x43: {  	s21 =	simm.s32 @!p0 $0x6;
	[sflag:s20] =	ssyncadd.s32 $0xFFFFC000  }
0x44: {  	_ =	swait.ge [sflag:s21], $0x4000  }
0x45: {  	[sflag:s21] =	ssyncset.done $0x0  }
0x46: {  	[sflag:s21] =	ssyncadd.s32 $0xFFFFC000  }
.Ltmp6:
0x47: {  	(pc) =	sbr.rel @p0 .LBB2_4-.Ltmp6, $4  }
.Ltmp7:
0x48: {  	(pc) =	sbr.rel @!p0 .LBB2_7-.Ltmp7, $4  }
0x49: {  	_ = 	snop  }
0x4a: {  	_ = 	snop  }
0x4b: {  	_ = 	snop  }
0x4c: {  	_ = 	snop  }
.LBB2_3:
.Ltmp8:
0x4d: {  	(pc) =	sbr.rel @!p0 .LBB2_7-.Ltmp8, $1  }
0x4e: {  	_ =	sdelay $0x3  }
.LBB2_4:
.Ltmp9:
0x4f: {  	(pc) =	sbr.rel .LBB2_8-.Ltmp9, $4  }
0x50: {  	s20 =	sadd.s32 $0xFFFFFF80, s18  }
0x51: {  	[tilespmem:s11], [sflag:$0x3] =	stream.indirect.gather [hbm4b:s2+s10], $0x80, s20, s10, $0xb8;
	[tilespmem:$0x13400] =	vst v63  }
0x52: {  	_ = 	snop  }
0x53: {  	[tilespmem:s12], [sflag:$0x4] =	stream.indirect.gather [hbm4b:s2+s10], $0x80, s18, s10, $0xb8;
	[tilespmem:$0x13400] =	vst v63  }
.LBB2_10:
0x54: {  	_ =	sfence.sel $0x180000  }
0x55: {  	[bflag:$0x0] =	sbarrier.arrive $0xFFFF  }
0x56: {  	p0 =	sne.s32 s0, $0x0;
	_ =	strace $0x90000047  }
0x57: {  	s0 =	sadd.s32 @!p0 $0x100000, s1;
	[bflag:$0x2] =	sbarrier.arrive $0xFFFF  }
0x58: {  	[sflag:s0] =	ssyncadd.tile.s32 @!p0 $0x1;
	_ =	shalt  }
.Lfunc_end2:
_tile_overlayer_lowered:
.L_overlay_start_2:
0x59: {  	(tag) =	ssettag $0x2  }
0x5a: {  	s0 =	rddreg [dreg:$0x0];
	s2 =	stileid.u32  }
0x5b: {  	s1 =	rddreg [dreg:$0x1];
	p0 =	sne.s32 s2, $0x0  }
0x5c: {  	s3 =	rddreg [dreg:$0x2];
	[bflag:$0x3] =	sbarrier.arrive $0xFFFF;
	s2 =	simm.s32 @!p0 $0x1C09  }
0x5d: {  	[timem:s3], [sflag:s2] =	dma.local @!p0 [hbm:s0], s1  }
0x5e: {  	s0 =	simm.s32 @!p0 $0x9  }
0x5f: {  	_ =	swait.ge @!p0 [sflag:s0], s1  }
0x60: {  	s1 =	ssub.s32 @!p0 $0x0, s1;
	[sflag:s0] =	ssyncset.done @!p0 $0x0  }
0x61: {  	[sflag:s0] =	ssyncadd.s32 @!p0 s1  }
0x62: {  	[bflag:$0x3] =	sbarrier.arrive $0xFFFF  }
0x63: {  	_ =	shalt  }

</sc_bundles>
